<compile_context>
chip_gen: v7x
topology: tpu7x:2x2x1
jax: 0.10.2.dev20260603
libtpu: 0.0.44.dev20260713+nightly
codegen_flags: <defaults>
</compile_context>

<pallas_src>
import functools

import jax
import jax.numpy as jnp
from jax import lax
from jax.experimental import pallas as pl
from jax.experimental.pallas import tpu as pltpu
from jax.experimental.pallas import tpu_sc as plsc


def _ln(x, g, b):
    mu = jnp.mean(x, axis=-1, keepdims=True)
    var = jnp.mean((x - mu) * (x - mu), axis=-1, keepdims=True)
    return (x - mu) / jnp.sqrt(var + 1e-3) * g + b


def _pre_body(q_ref, m_ref, w1q_ref, w1k_ref, b1p_ref,
              w1m_ref, b1m_ref, g1m_ref, be1m_ref,
              w2m_ref, b2m_ref, g2m_ref, be2m_ref,
              w3m_ref, b3m_ref,
              a_ref, b_ref, k_ref):
    q = q_ref[...]
    m = m_ref[...]
    a_ref[...] = jnp.dot(q, w1q_ref[...],
                         preferred_element_type=jnp.float32) + b1p_ref[...]
    b_ref[...] = jnp.dot(m, w1k_ref[...],
                         preferred_element_type=jnp.float32)
    h = jnp.dot(m, w1m_ref[...], preferred_element_type=jnp.float32)
    h = jnp.maximum(_ln(h + b1m_ref[...], g1m_ref[...], be1m_ref[...]), 0.0)
    h = jnp.dot(h, w2m_ref[...], preferred_element_type=jnp.float32)
    h = jnp.maximum(_ln(h + b2m_ref[...], g2m_ref[...], be2m_ref[...]), 0.0)
    k_ref[...] = jnp.dot(h, w3m_ref[...],
                         preferred_element_type=jnp.float32) + b3m_ref[...]


def _precompute(query, memory, w1q, w1k, b1p,
                w1m, b1m, g1m, be1m, w2m, b2m, g2m, be2m, w3m, b3m):
    n, _ = query.shape
    h_dim = w1q.shape[1]
    out_shape = (jax.ShapeDtypeStruct((n, h_dim), jnp.float32),
                 jax.ShapeDtypeStruct((n, h_dim), jnp.float32),
                 jax.ShapeDtypeStruct((n, h_dim), jnp.float32))
    return pl.pallas_call(_pre_body, out_shape=out_shape)(
        query, memory, w1q, w1k, b1p,
        w1m, b1m, g1m, be1m, w2m, b2m, g2m, be2m, w3m, b3m)


def _mlp_body(x_ref, g1_ref, be1_ref, w2_ref, b2_ref, g2_ref, be2_ref,
              w3_ref, b3_ref, h_ref):
    x = x_ref[0]
    h1 = jnp.maximum(_ln(x, g1_ref[...], be1_ref[...]), 0.0)
    h2 = jnp.dot(h1, w2_ref[...], preferred_element_type=jnp.float32) + b2_ref[...]
    h2 = jnp.maximum(_ln(h2, g2_ref[...], be2_ref[...]), 0.0)
    t = jnp.sum(h2 * w3_ref[...], axis=-1) + b3_ref[0, 0]
    h_ref[0, 0] = jnp.tanh(t)


def _edge_mlp(x3, g1p, be1p, w2p, b2p, g2p, be2p, w3row, b3):
    nb, be, h_dim = x3.shape
    wspec = pl.BlockSpec((1, h_dim), lambda i: (0, 0))
    mspec = pl.BlockSpec((h_dim, h_dim), lambda i: (0, 0))
    return pl.pallas_call(
        _mlp_body,
        grid=(nb,),
        in_specs=[pl.BlockSpec((1, be, h_dim), lambda i: (i, 0, 0)),
                  wspec, wspec, mspec, wspec, wspec, wspec, wspec,
                  pl.BlockSpec((1, 1), lambda i: (0, 0))],
        out_specs=pl.BlockSpec((1, 1, be), lambda i: (i, 0, 0)),
        out_shape=jax.ShapeDtypeStruct((nb, 1, be), jnp.float32),
    )(x3, g1p, be1p, w2p, b2p, g2p, be2p, w3row, b3)


def _add_body(a_ref, b_ref, o_ref):
    o_ref[...] = a_ref[...] + b_ref[...]


def _combine(p0, p1):
    return pl.pallas_call(
        _add_body, out_shape=jax.ShapeDtypeStruct(p0.shape, jnp.float32))(p0, p1)


def _make_sc_gather(e_total, h_dim, nc, ns, c):
    nw = nc * ns
    ew = e_total // nw
    nch = ew // c
    mesh = plsc.VectorSubcoreMesh(core_axis_name="c", subcore_axis_name="s")

    @functools.partial(
        pl.kernel, mesh=mesh,
        compiler_params=pltpu.CompilerParams(use_tc_tiling_on_sc=False,
                                             needs_layout_passes=False),
        out_type=jax.ShapeDtypeStruct((e_total, h_dim), jnp.float32),
        scratch_types=[pltpu.VMEM((nch, c), jnp.int32),
                       pltpu.VMEM((nch, c), jnp.int32),
                       pltpu.VMEM((c, h_dim), jnp.float32),
                       pltpu.VMEM((c, h_dim), jnp.float32),
                       pltpu.SemaphoreType.DMA,
                       pltpu.SemaphoreType.DMA],
    )
    def gk(a_hbm, b_hbm, src_hbm, dst_hbm, x_hbm, sidx, didx, ra, rb,
           sema, semb):
        wid = lax.axis_index("s") * nc + lax.axis_index("c")
        pltpu.sync_copy(src_hbm.at[wid], sidx)
        pltpu.sync_copy(dst_hbm.at[wid], didx)

        def chunk(ci, carry):
            base = wid * ew + ci * c
            hdla = pltpu.async_copy(a_hbm.at[sidx.at[ci]], ra, sema)
            hdlb = pltpu.async_copy(b_hbm.at[didx.at[ci]], rb, semb)
            hdla.wait()
            hdlb.wait()

            def row(i, rcarry):
                for j in range(h_dim // 16):
                    s = pl.ds(j * 16, 16)
                    ra[i, s] = ra[i, s] + rb[i, s]
                return rcarry

            lax.fori_loop(0, c, row, 0)
            pltpu.sync_copy(ra, x_hbm.at[pl.ds(base, c)])
            return carry

        lax.fori_loop(0, nch, chunk, 0)

    return gk


def _make_sc_scatter(n, e_total, h_dim, nc, ns, c):
    nw = nc * ns
    ew = e_total // nw
    nch = ew // c
    mesh = plsc.VectorSubcoreMesh(core_axis_name="c", subcore_axis_name="s")

    @functools.partial(
        pl.kernel, mesh=mesh,
        compiler_params=pltpu.CompilerParams(use_tc_tiling_on_sc=False,
                                             needs_layout_passes=False),
        out_type=jax.ShapeDtypeStruct((nc, n, h_dim), jnp.float32),
        scratch_types=[pltpu.VMEM((nch, c), jnp.int32),
                       pltpu.VMEM((nch, c), jnp.int32),
                       pltpu.VMEM((nch, c), jnp.float32),
                       pltpu.VMEM((2, c, h_dim), jnp.float32),
                       pltpu.VMEM((c,), jnp.int32),
                       pltpu.VMEM((c,), jnp.float32),
                       pltpu.VMEM_SHARED((n, h_dim), jnp.float32),
                       pltpu.SemaphoreType.DMA,
                       pltpu.SemaphoreType.DMA],
    )
    def sk(k_hbm, h_hbm, src_hbm, dst_hbm, z_hbm, out_hbm,
           sidx, didx, hbuf, rows, sv, hv, acc, gsem0, gsem1):
        cid = lax.axis_index("c")
        sid = lax.axis_index("s")
        wid = sid * nc + cid

        @pl.when(sid == 0)
        def _():
            pltpu.sync_copy(z_hbm, acc)

        pltpu.sync_copy(src_hbm.at[wid], sidx)
        pltpu.sync_copy(dst_hbm.at[wid], didx)
        pltpu.sync_copy(h_hbm.at[wid], hbuf)
        plsc.subcore_barrier()
        gsems = (gsem0, gsem1)

        def scale_scatter(ci, b, hdl):
            for j in range(c // 16):
                s = pl.ds(j * 16, 16)
                sv[s] = sidx[ci, s]
                hv[s] = hbuf[ci, s]
            hdl.wait()

            def row(i, rcarry):
                hb = plsc.load_gather(hv, [jnp.full((16,), i, jnp.int32)])
                for j in range(h_dim // 16):
                    s = pl.ds(j * 16, 16)
                    rows[b, i, s] = rows[b, i, s] * hb
                return rcarry

            lax.fori_loop(0, c, row, 0)
            pltpu.sync_copy(rows.at[b], acc.at[sv], add=True)

        def chunk(ci, carry):
            hdl = pltpu.async_copy(k_hbm.at[didx.at[ci]], rows.at[0],
                                   gsems[0])
            scale_scatter(ci, 0, hdl)
            return carry

        lax.fori_loop(0, nch, chunk, 0)
        plsc.subcore_barrier()

        @pl.when(sid == 0)
        def _():
            pltpu.sync_copy(acc, out_hbm.at[cid])

    return sk


def kernel(query, memory, adj_indices, W1p, b1p, g1p, be1p, W2p, b2p, g2p,
           be2p, W3p, b3p, W1m, b1m, g1m, be1m, W2m, b2m, g2m, be2m, W3m,
           b3m):
    n, d = query.shape
    e_total = adj_indices.shape[0]
    h_dim = W1p.shape[1]

    info = plsc.get_sparse_core_info()
    nc, ns = info.num_cores, info.num_subcores
    c = 80

    nw = nc * ns
    nch = e_total // (nw * c)
    src = adj_indices[:, 0]
    dst = adj_indices[:, 1]
    src3 = src.reshape(nw, nch, c)
    dst3 = dst.reshape(nw, nch, c)

    a_tab, b_tab, k_tab = _precompute(
        query, memory, W1p[:d], W1p[d:], b1p.reshape(1, h_dim),
        W1m, b1m.reshape(1, h_dim), g1m.reshape(1, h_dim),
        be1m.reshape(1, h_dim), W2m, b2m.reshape(1, h_dim),
        g2m.reshape(1, h_dim), be2m.reshape(1, h_dim), W3m,
        b3m.reshape(1, h_dim))

    x = _make_sc_gather(e_total, h_dim, nc, ns, c)(a_tab, b_tab, src3, dst3)

    be = 2560
    nb = e_total // be
    h3 = _edge_mlp(x.reshape(nb, be, h_dim),
                   g1p.reshape(1, h_dim), be1p.reshape(1, h_dim),
                   W2p, b2p.reshape(1, h_dim),
                   g2p.reshape(1, h_dim), be2p.reshape(1, h_dim),
                   W3p.reshape(1, h_dim), b3p.reshape(1, 1))
    h_edges = h3.reshape(nw, nch, c)

    zeros = jnp.zeros((n, h_dim), jnp.float32)
    partials = _make_sc_scatter(n, e_total, h_dim, nc, ns, c)(
        k_tab, h_edges, src3, dst3, zeros)

    return _combine(partials[0], partials[1])

# --- scband reference (transcript-rebuilt; emitter-appended) ---
"""Pipeline reference for scband-additive-attention-43319040147615 (READ-ONLY COPY).

The authoritative reference and input builder live on the scoring server;
editing this copy changes nothing except your own understanding.
"""

import jax, jax.numpy as jnp
import numpy as np

N = 10000
E = 320000
D = 128
H = 64

def _ln(x, g, b, eps=1e-3):
    mu = jnp.mean(x, axis=-1, keepdims=True)
    var = jnp.var(x, axis=-1, keepdims=True)
    return (x - mu) / jnp.sqrt(var + eps) * g + b

def _mlp(x, W1, b1, g1, be1, W2, b2, g2, be2, W3, b3):
    h = jax.nn.relu(_ln(x @ W1 + b1, g1, be1))
    h = jax.nn.relu(_ln(h @ W2 + b2, g2, be2))
    return h @ W3 + b3

def setup_inputs(seed: int = 0) -> dict:
    key = jax.random.key(seed)
    ks = jax.random.split(key, 16)
    inp = {}
    inp['query'] = jax.random.normal(ks[0], (N, D), dtype=jnp.float32)
    inp['memory'] = jax.random.normal(ks[1], (N, D), dtype=jnp.float32)
    inp['adj_indices'] = jax.random.randint(ks[2], (E, 2), 0, N, dtype=jnp.int32)
    # pre_process MLP: (2*D) -> H -> H -> 1, layer norm after each hidden dense
    inp['W1p'] = jax.random.normal(ks[3], (2 * D, H), dtype=jnp.float32) * 0.05
    inp['b1p'] = jnp.zeros((H,), dtype=jnp.float32)
    inp['g1p'] = jnp.ones((H,), dtype=jnp.float32)
    inp['be1p'] = jnp.zeros((H,), dtype=jnp.float32)
    inp['W2p'] = jax.random.normal(ks[4], (H, H), dtype=jnp.float32) * 0.05
    inp['b2p'] = jnp.zeros((H,), dtype=jnp.float32)
    inp['g2p'] = jnp.ones((H,), dtype=jnp.float32)
    inp['be2p'] = jnp.zeros((H,), dtype=jnp.float32)
    inp['W3p'] = jax.random.normal(ks[5], (H, 1), dtype=jnp.float32) * 0.05
    inp['b3p'] = jnp.zeros((1,), dtype=jnp.float32)
    # memory MLP: D -> H -> H -> H, layer norm after each hidden dense
    inp['W1m'] = jax.random.normal(ks[6], (D, H), dtype=jnp.float32) * 0.05
    inp['b1m'] = jnp.zeros((H,), dtype=jnp.float32)
    inp['g1m'] = jnp.ones((H,), dtype=jnp.float32)
    inp['be1m'] = jnp.zeros((H,), dtype=jnp.float32)
    inp['W2m'] = jax.random.normal(ks[7], (H, H), dtype=jnp.float32) * 0.05
    inp['b2m'] = jnp.zeros((H,), dtype=jnp.float32)
    inp['g2m'] = jnp.ones((H,), dtype=jnp.float32)
    inp['be2m'] = jnp.zeros((H,), dtype=jnp.float32)
    inp['W3m'] = jax.random.normal(ks[8], (H, H), dtype=jnp.float32) * 0.05
    inp['b3m'] = jnp.zeros((H,), dtype=jnp.float32)
    return inp

def reference(query, memory, adj_indices,
              W1p, b1p, g1p, be1p, W2p, b2p, g2p, be2p, W3p, b3p,
              W1m, b1m, g1m, be1m, W2m, b2m, g2m, be2m, W3m, b3m):
    src = adj_indices[:, 0]
    dst = adj_indices[:, 1]
    q = jnp.take(query, src, axis=0)
    k = jnp.take(memory, dst, axis=0)
    units = jnp.concatenate([q, k], axis=-1)
    units = _mlp(units, W1p, b1p, g1p, be1p, W2p, b2p, g2p, be2p, W3p, b3p)
    units = jnp.tanh(units)
    h = units[:, 0]  # heads == 1, squeeze last axis
    mem_head = _mlp(memory, W1m, b1m, g1m, be1m, W2m, b2m, g2m, be2m, W3m, b3m)
    # sparse_dense_matmul(weighted_adj, mem): out[i] = sum_{e:(i,j)} h_e * mem_head[j]
    msg = h[:, None] * jnp.take(mem_head, dst, axis=0)
    out = jax.ops.segment_sum(msg, src, num_segments=N)
    return out

if __name__ == "__main__":
    import jax
    _d = setup_inputs()
    print(jax.jit(kernel)(*tuple(_d.values())))

</pallas_src>

<mosaic_0001>
#map = affine_map<(d0, d1) -> (0, 0)>
#map1 = affine_map<(d0, d1) -> (0, 0, 0)>
module attributes {stable_mosaic.version = 14 : i64} {
  func.func @sk(%arg0: i32, %arg1: i32, %arg2: memref<10000x64xf32, #tpu.memory_space<hbm>>, %arg3: memref<32x125x80xf32, #tpu.memory_space<hbm>>, %arg4: memref<32x125x80xi32, #tpu.memory_space<hbm>>, %arg5: memref<32x125x80xi32, #tpu.memory_space<hbm>>, %arg6: memref<10000x64xf32, #tpu.memory_space<hbm>>, %arg7: memref<2x10000x64xf32, #tpu.memory_space<hbm>>, %arg8: memref<125x80xi32, #tpu.memory_space<vmem>>, %arg9: memref<125x80xi32, #tpu.memory_space<vmem>>, %arg10: memref<125x80xf32, #tpu.memory_space<vmem>>, %arg11: memref<2x80x64xf32, #tpu.memory_space<vmem>>, %arg12: memref<80xi32, #tpu.memory_space<vmem>>, %arg13: memref<80xf32, #tpu.memory_space<vmem>>, %arg14: memref<10000x64xf32, #tpu.memory_space<vmem_shared>>, %arg15: memref<!tpu.dma_semaphore, #tpu.memory_space<semaphore_mem>>, %arg16: memref<!tpu.dma_semaphore, #tpu.memory_space<semaphore_mem>>) attributes {dimension_semantics = [#tpu.dimension_semantics<core_parallel>, #tpu.dimension_semantics<subcore_parallel>], iteration_bounds = array<i64: 2, 16>, scalar_prefetch = 0 : i64, scratch_operands = 9 : i64, tpu.core_type = #tpu.core_type<sc_vector_subcore>, window_params = [{transform_indices = #map}, {transform_indices = #map1}, {transform_indices = #map1}, {transform_indices = #map1}, {transform_indices = #map}, {transform_indices = #map1}]} {
    %mul3A = arith.constant 2 : i32
    %mul3A_0 = arith.muli %arg1, %mul3A : i32
    %add3A = arith.addi %mul3A_0, %arg0 : i32
    %eq3A = arith.constant 0 : i32
    %eq3A_1 = arith.cmpi eq, %arg1, %eq3A : i32
    %convert_element_type3A = arith.extui %eq3A_1 : i1 to i32
    %cond3A = arith.constant 0 : i32
    %cond3A_2 = arith.cmpi ne, %convert_element_type3A, %cond3A : i32
    scf.if %cond3A_2 {
      "tpu.region"() ({
        %run_scoped3A = tpu.sem_alloc : memref<!tpu.dma_semaphore, #tpu.memory_space<semaphore_mem>>
        tpu.enqueue_dma source(%arg6 : memref<10000x64xf32, #tpu.memory_space<hbm>>) target(%arg14 : memref<10000x64xf32, #tpu.memory_space<vmem_shared>>) target_semaphore(%run_scoped3A : memref<!tpu.dma_semaphore, #tpu.memory_space<semaphore_mem>>)
        tpu.wait_dma2 semaphore(%run_scoped3A : memref<!tpu.dma_semaphore, #tpu.memory_space<semaphore_mem>>) src(%arg6 : memref<10000x64xf32, #tpu.memory_space<hbm>>) dst(%arg14 : memref<10000x64xf32, #tpu.memory_space<vmem_shared>>)
        tpu.yield
      }) : () -> ()
    } else {
    }
    "tpu.region"() ({
      %run_scoped3A = tpu.sem_alloc : memref<!tpu.dma_semaphore, #tpu.memory_space<semaphore_mem>>
      %dma_start3A = arith.constant 0 : i32
      %dma_start3A_14 = arith.constant 0 : i32
      %dma_start3A_15 = tpu.memref_slice %arg4[%add3A, %dma_start3A, %dma_start3A_14] : memref<32x125x80xi32, #tpu.memory_space<hbm>> -> memref<1x125x80xi32, #tpu.memory_space<hbm>>
      %dma_start3A_16 = tpu.memref_squeeze %dma_start3A_15 : memref<1x125x80xi32, #tpu.memory_space<hbm>> -> memref<125x80xi32, #tpu.memory_space<hbm>>
      %dma_start3A_17 = arith.constant 0 : i32
      %dma_start3A_18 = arith.constant 0 : i32
      %dma_start3A_19 = tpu.memref_slice %arg4[%add3A, %dma_start3A_17, %dma_start3A_18] : memref<32x125x80xi32, #tpu.memory_space<hbm>> -> memref<1x125x80xi32, #tpu.memory_space<hbm>>
      %dma_start3A_20 = tpu.memref_squeeze %dma_start3A_19 : memref<1x125x80xi32, #tpu.memory_space<hbm>> -> memref<125x80xi32, #tpu.memory_space<hbm>>
      tpu.enqueue_dma source(%dma_start3A_20 : memref<125x80xi32, #tpu.memory_space<hbm>>) target(%arg8 : memref<125x80xi32, #tpu.memory_space<vmem>>) target_semaphore(%run_scoped3A : memref<!tpu.dma_semaphore, #tpu.memory_space<semaphore_mem>>)
      %dma_wait3A = arith.constant 0 : i32
      %dma_wait3A_21 = arith.constant 0 : i32
      %dma_wait3A_22 = tpu.memref_slice %arg4[%add3A, %dma_wait3A, %dma_wait3A_21] : memref<32x125x80xi32, #tpu.memory_space<hbm>> -> memref<1x125x80xi32, #tpu.memory_space<hbm>>
      %dma_wait3A_23 = tpu.memref_squeeze %dma_wait3A_22 : memref<1x125x80xi32, #tpu.memory_space<hbm>> -> memref<125x80xi32, #tpu.memory_space<hbm>>
      %dma_wait3A_24 = arith.constant 0 : i32
      %dma_wait3A_25 = arith.constant 0 : i32
      %dma_wait3A_26 = tpu.memref_slice %arg4[%add3A, %dma_wait3A_24, %dma_wait3A_25] : memref<32x125x80xi32, #tpu.memory_space<hbm>> -> memref<1x125x80xi32, #tpu.memory_space<hbm>>
      %dma_wait3A_27 = tpu.memref_squeeze %dma_wait3A_26 : memref<1x125x80xi32, #tpu.memory_space<hbm>> -> memref<125x80xi32, #tpu.memory_space<hbm>>
      tpu.wait_dma2 semaphore(%run_scoped3A : memref<!tpu.dma_semaphore, #tpu.memory_space<semaphore_mem>>) src(%dma_wait3A_27 : memref<125x80xi32, #tpu.memory_space<hbm>>) dst(%arg8 : memref<125x80xi32, #tpu.memory_space<vmem>>)
      tpu.yield
    }) : () -> ()
    "tpu.region"() ({
      %run_scoped3A = tpu.sem_alloc : memref<!tpu.dma_semaphore, #tpu.memory_space<semaphore_mem>>
      %dma_start3A = arith.constant 0 : i32
      %dma_start3A_14 = arith.constant 0 : i32
      %dma_start3A_15 = tpu.memref_slice %arg5[%add3A, %dma_start3A, %dma_start3A_14] : memref<32x125x80xi32, #tpu.memory_space<hbm>> -> memref<1x125x80xi32, #tpu.memory_space<hbm>>
      %dma_start3A_16 = tpu.memref_squeeze %dma_start3A_15 : memref<1x125x80xi32, #tpu.memory_space<hbm>> -> memref<125x80xi32, #tpu.memory_space<hbm>>
      %dma_start3A_17 = arith.constant 0 : i32
      %dma_start3A_18 = arith.constant 0 : i32
      %dma_start3A_19 = tpu.memref_slice %arg5[%add3A, %dma_start3A_17, %dma_start3A_18] : memref<32x125x80xi32, #tpu.memory_space<hbm>> -> memref<1x125x80xi32, #tpu.memory_space<hbm>>
      %dma_start3A_20 = tpu.memref_squeeze %dma_start3A_19 : memref<1x125x80xi32, #tpu.memory_space<hbm>> -> memref<125x80xi32, #tpu.memory_space<hbm>>
      tpu.enqueue_dma source(%dma_start3A_20 : memref<125x80xi32, #tpu.memory_space<hbm>>) target(%arg9 : memref<125x80xi32, #tpu.memory_space<vmem>>) target_semaphore(%run_scoped3A : memref<!tpu.dma_semaphore, #tpu.memory_space<semaphore_mem>>)
      %dma_wait3A = arith.constant 0 : i32
      %dma_wait3A_21 = arith.constant 0 : i32
      %dma_wait3A_22 = tpu.memref_slice %arg5[%add3A, %dma_wait3A, %dma_wait3A_21] : memref<32x125x80xi32, #tpu.memory_space<hbm>> -> memref<1x125x80xi32, #tpu.memory_space<hbm>>
      %dma_wait3A_23 = tpu.memref_squeeze %dma_wait3A_22 : memref<1x125x80xi32, #tpu.memory_space<hbm>> -> memref<125x80xi32, #tpu.memory_space<hbm>>
      %dma_wait3A_24 = arith.constant 0 : i32
      %dma_wait3A_25 = arith.constant 0 : i32
      %dma_wait3A_26 = tpu.memref_slice %arg5[%add3A, %dma_wait3A_24, %dma_wait3A_25] : memref<32x125x80xi32, #tpu.memory_space<hbm>> -> memref<1x125x80xi32, #tpu.memory_space<hbm>>
      %dma_wait3A_27 = tpu.memref_squeeze %dma_wait3A_26 : memref<1x125x80xi32, #tpu.memory_space<hbm>> -> memref<125x80xi32, #tpu.memory_space<hbm>>
      tpu.wait_dma2 semaphore(%run_scoped3A : memref<!tpu.dma_semaphore, #tpu.memory_space<semaphore_mem>>) src(%dma_wait3A_27 : memref<125x80xi32, #tpu.memory_space<hbm>>) dst(%arg9 : memref<125x80xi32, #tpu.memory_space<vmem>>)
      tpu.yield
    }) : () -> ()
    "tpu.region"() ({
      %run_scoped3A = tpu.sem_alloc : memref<!tpu.dma_semaphore, #tpu.memory_space<semaphore_mem>>
      %dma_start3A = arith.constant 0 : i32
      %dma_start3A_14 = arith.constant 0 : i32
      %dma_start3A_15 = tpu.memref_slice %arg3[%add3A, %dma_start3A, %dma_start3A_14] : memref<32x125x80xf32, #tpu.memory_space<hbm>> -> memref<1x125x80xf32, #tpu.memory_space<hbm>>
      %dma_start3A_16 = tpu.memref_squeeze %dma_start3A_15 : memref<1x125x80xf32, #tpu.memory_space<hbm>> -> memref<125x80xf32, #tpu.memory_space<hbm>>
      %dma_start3A_17 = arith.constant 0 : i32
      %dma_start3A_18 = arith.constant 0 : i32
      %dma_start3A_19 = tpu.memref_slice %arg3[%add3A, %dma_start3A_17, %dma_start3A_18] : memref<32x125x80xf32, #tpu.memory_space<hbm>> -> memref<1x125x80xf32, #tpu.memory_space<hbm>>
      %dma_start3A_20 = tpu.memref_squeeze %dma_start3A_19 : memref<1x125x80xf32, #tpu.memory_space<hbm>> -> memref<125x80xf32, #tpu.memory_space<hbm>>
      tpu.enqueue_dma source(%dma_start3A_20 : memref<125x80xf32, #tpu.memory_space<hbm>>) target(%arg10 : memref<125x80xf32, #tpu.memory_space<vmem>>) target_semaphore(%run_scoped3A : memref<!tpu.dma_semaphore, #tpu.memory_space<semaphore_mem>>)
      %dma_wait3A = arith.constant 0 : i32
      %dma_wait3A_21 = arith.constant 0 : i32
      %dma_wait3A_22 = tpu.memref_slice %arg3[%add3A, %dma_wait3A, %dma_wait3A_21] : memref<32x125x80xf32, #tpu.memory_space<hbm>> -> memref<1x125x80xf32, #tpu.memory_space<hbm>>
      %dma_wait3A_23 = tpu.memref_squeeze %dma_wait3A_22 : memref<1x125x80xf32, #tpu.memory_space<hbm>> -> memref<125x80xf32, #tpu.memory_space<hbm>>
      %dma_wait3A_24 = arith.constant 0 : i32
      %dma_wait3A_25 = arith.constant 0 : i32
      %dma_wait3A_26 = tpu.memref_slice %arg3[%add3A, %dma_wait3A_24, %dma_wait3A_25] : memref<32x125x80xf32, #tpu.memory_space<hbm>> -> memref<1x125x80xf32, #tpu.memory_space<hbm>>
      %dma_wait3A_27 = tpu.memref_squeeze %dma_wait3A_26 : memref<1x125x80xf32, #tpu.memory_space<hbm>> -> memref<125x80xf32, #tpu.memory_space<hbm>>
      tpu.wait_dma2 semaphore(%run_scoped3A : memref<!tpu.dma_semaphore, #tpu.memory_space<semaphore_mem>>) src(%dma_wait3A_27 : memref<125x80xf32, #tpu.memory_space<hbm>>) dst(%arg10 : memref<125x80xf32, #tpu.memory_space<vmem>>)
      tpu.yield
    }) : () -> ()
    %barrier3A = arith.constant 0 : index
    tpu.barrier barrier_id(%barrier3A)
    %scan3A = arith.constant 0 : i32
    %scan3A_3 = arith.constant 0 : i32
    %scan3A_4 = arith.constant 125 : i32
    %scan3A_5 = arith.addi %scan3A_3, %scan3A_4 : i32
    %scan3A_6 = arith.constant 1 : i32
    scf.for %scan3A_14 = %scan3A_3 to %scan3A_5 step %scan3A_6  : i32 {
      %dma_start3A = arith.constant 0 : i32
      %dma_start3A_15 = arith.constant 0 : i32
      %dma_start3A_16 = arith.constant 0 : i32
      %dma_start3A_17 = tpu.memref_slice %arg11[%dma_start3A, %dma_start3A_15, %dma_start3A_16] : memref<2x80x64xf32, #tpu.memory_space<vmem>> -> memref<1x80x64xf32, #tpu.memory_space<vmem>>
      %dma_start3A_18 = tpu.memref_squeeze %dma_start3A_17 : memref<1x80x64xf32, #tpu.memory_space<vmem>> -> memref<80x64xf32, #tpu.memory_space<vmem>>
      %dma_start3A_19 = arith.constant 0 : i32
      %dma_start3A_20 = tpu.memref_slice %arg9[%scan3A_14, %dma_start3A_19] : memref<125x80xi32, #tpu.memory_space<vmem>> -> memref<1x80xi32, #tpu.memory_space<vmem>>
      %dma_start3A_21 = tpu.memref_squeeze %dma_start3A_20 : memref<1x80xi32, #tpu.memory_space<vmem>> -> memref<80xi32, #tpu.memory_space<vmem>>
      %dma_start3A_22 = arith.constant 0 : i32
      %dma_start3A_23 = arith.constant 0 : i32
      %dma_start3A_24 = tpu.memref_slice %arg2[%dma_start3A_22, %dma_start3A_23] : memref<10000x64xf32, #tpu.memory_space<hbm>> -> memref<10000x64xf32, #tpu.memory_space<hbm>>
      tpu.enqueue_indirect_dma source(%dma_start3A_24 : memref<10000x64xf32, #tpu.memory_space<hbm>>) target(%dma_start3A_18 : memref<80x64xf32, #tpu.memory_space<vmem>>) offsets(%dma_start3A_21 : memref<80xi32, #tpu.memory_space<vmem>>) semaphore(%arg15 : memref<!tpu.dma_semaphore, #tpu.memory_space<semaphore_mem>>)
      %get3A = arith.index_cast %scan3A_14 : i32 to index
      %get3A_25 = arith.constant 0 : index
      %get3A_26 = tpu.vector_load %arg8[%get3A, %get3A_25] {strides = array<i32>} : memref<125x80xi32, #tpu.memory_space<vmem>>, vector<16xi32>,
      %swap3A = arith.constant 0 : index
      %swap3A_27 = tpu.vector_load %arg12[%swap3A] {strides = array<i32>} : memref<80xi32, #tpu.memory_space<vmem>>, vector<16xi32>,
      tpu.vector_store %arg12[%swap3A], %get3A_26 {strides = array<i32>} : memref<80xi32, #tpu.memory_space<vmem>>, vector<16xi32>,
      %get3A_28 = arith.index_cast %scan3A_14 : i32 to index
      %get3A_29 = arith.constant 0 : index
      %get3A_30 = tpu.vector_load %arg10[%get3A_28, %get3A_29] {strides = array<i32>} : memref<125x80xf32, #tpu.memory_space<vmem>>, vector<16xf32>,
      %swap3A_31 = arith.constant 0 : index
      %swap3A_32 = tpu.vector_load %arg13[%swap3A_31] {strides = array<i32>} : memref<80xf32, #tpu.memory_space<vmem>>, vector<16xf32>,
      tpu.vector_store %arg13[%swap3A_31], %get3A_30 {strides = array<i32>} : memref<80xf32, #tpu.memory_space<vmem>>, vector<16xf32>,
      %get3A_33 = arith.index_cast %scan3A_14 : i32 to index
      %get3A_34 = arith.constant 16 : index
      %get3A_35 = tpu.vector_load %arg8[%get3A_33, %get3A_34] {strides = array<i32>} : memref<125x80xi32, #tpu.memory_space<vmem>>, vector<16xi32>,
      %swap3A_36 = arith.constant 16 : index
      %swap3A_37 = tpu.vector_load %arg12[%swap3A_36] {strides = array<i32>} : memref<80xi32, #tpu.memory_space<vmem>>, vector<16xi32>,
      tpu.vector_store %arg12[%swap3A_36], %get3A_35 {strides = array<i32>} : memref<80xi32, #tpu.memory_space<vmem>>, vector<16xi32>,
      %get3A_38 = arith.index_cast %scan3A_14 : i32 to index
      %get3A_39 = arith.constant 16 : index
      %get3A_40 = tpu.vector_load %arg10[%get3A_38, %get3A_39] {strides = array<i32>} : memref<125x80xf32, #tpu.memory_space<vmem>>, vector<16xf32>,
      %swap3A_41 = arith.constant 16 : index
      %swap3A_42 = tpu.vector_load %arg13[%swap3A_41] {strides = array<i32>} : memref<80xf32, #tpu.memory_space<vmem>>, vector<16xf32>,
      tpu.vector_store %arg13[%swap3A_41], %get3A_40 {strides = array<i32>} : memref<80xf32, #tpu.memory_space<vmem>>, vector<16xf32>,
      %get3A_43 = arith.index_cast %scan3A_14 : i32 to index
      %get3A_44 = arith.constant 32 : index
      %get3A_45 = tpu.vector_load %arg8[%get3A_43, %get3A_44] {strides = array<i32>} : memref<125x80xi32, #tpu.memory_space<vmem>>, vector<16xi32>,
      %swap3A_46 = arith.constant 32 : index
      %swap3A_47 = tpu.vector_load %arg12[%swap3A_46] {strides = array<i32>} : memref<80xi32, #tpu.memory_space<vmem>>, vector<16xi32>,
      tpu.vector_store %arg12[%swap3A_46], %get3A_45 {strides = array<i32>} : memref<80xi32, #tpu.memory_space<vmem>>, vector<16xi32>,
      %get3A_48 = arith.index_cast %scan3A_14 : i32 to index
      %get3A_49 = arith.constant 32 : index
      %get3A_50 = tpu.vector_load %arg10[%get3A_48, %get3A_49] {strides = array<i32>} : memref<125x80xf32, #tpu.memory_space<vmem>>, vector<16xf32>,
      %swap3A_51 = arith.constant 32 : index
      %swap3A_52 = tpu.vector_load %arg13[%swap3A_51] {strides = array<i32>} : memref<80xf32, #tpu.memory_space<vmem>>, vector<16xf32>,
      tpu.vector_store %arg13[%swap3A_51], %get3A_50 {strides = array<i32>} : memref<80xf32, #tpu.memory_space<vmem>>, vector<16xf32>,
      %get3A_53 = arith.index_cast %scan3A_14 : i32 to index
      %get3A_54 = arith.constant 48 : index
      %get3A_55 = tpu.vector_load %arg8[%get3A_53, %get3A_54] {strides = array<i32>} : memref<125x80xi32, #tpu.memory_space<vmem>>, vector<16xi32>,
      %swap3A_56 = arith.constant 48 : index
      %swap3A_57 = tpu.vector_load %arg12[%swap3A_56] {strides = array<i32>} : memref<80xi32, #tpu.memory_space<vmem>>, vector<16xi32>,
      tpu.vector_store %arg12[%swap3A_56], %get3A_55 {strides = array<i32>} : memref<80xi32, #tpu.memory_space<vmem>>, vector<16xi32>,
      %get3A_58 = arith.index_cast %scan3A_14 : i32 to index
      %get3A_59 = arith.constant 48 : index
      %get3A_60 = tpu.vector_load %arg10[%get3A_58, %get3A_59] {strides = array<i32>} : memref<125x80xf32, #tpu.memory_space<vmem>>, vector<16xf32>,
      %swap3A_61 = arith.constant 48 : index
      %swap3A_62 = tpu.vector_load %arg13[%swap3A_61] {strides = array<i32>} : memref<80xf32, #tpu.memory_space<vmem>>, vector<16xf32>,
      tpu.vector_store %arg13[%swap3A_61], %get3A_60 {strides = array<i32>} : memref<80xf32, #tpu.memory_space<vmem>>, vector<16xf32>,
      %get3A_63 = arith.index_cast %scan3A_14 : i32 to index
      %get3A_64 = arith.constant 64 : index
      %get3A_65 = tpu.vector_load %arg8[%get3A_63, %get3A_64] {strides = array<i32>} : memref<125x80xi32, #tpu.memory_space<vmem>>, vector<16xi32>,
      %swap3A_66 = arith.constant 64 : index
      %swap3A_67 = tpu.vector_load %arg12[%swap3A_66] {strides = array<i32>} : memref<80xi32, #tpu.memory_space<vmem>>, vector<16xi32>,
      tpu.vector_store %arg12[%swap3A_66], %get3A_65 {strides = array<i32>} : memref<80xi32, #tpu.memory_space<vmem>>, vector<16xi32>,
      %get3A_68 = arith.index_cast %scan3A_14 : i32 to index
      %get3A_69 = arith.constant 64 : index
      %get3A_70 = tpu.vector_load %arg10[%get3A_68, %get3A_69] {strides = array<i32>} : memref<125x80xf32, #tpu.memory_space<vmem>>, vector<16xf32>,
      %swap3A_71 = arith.constant 64 : index
      %swap3A_72 = tpu.vector_load %arg13[%swap3A_71] {strides = array<i32>} : memref<80xf32, #tpu.memory_space<vmem>>, vector<16xf32>,
      tpu.vector_store %arg13[%swap3A_71], %get3A_70 {strides = array<i32>} : memref<80xf32, #tpu.memory_space<vmem>>, vector<16xf32>,
      %dma_wait3A = arith.constant 0 : i32
      %dma_wait3A_73 = arith.constant 0 : i32
      %dma_wait3A_74 = arith.constant 0 : i32
      %dma_wait3A_75 = tpu.memref_slice %arg11[%dma_wait3A, %dma_wait3A_73, %dma_wait3A_74] : memref<2x80x64xf32, #tpu.memory_space<vmem>> -> memref<1x80x64xf32, #tpu.memory_space<vmem>>
      %dma_wait3A_76 = tpu.memref_squeeze %dma_wait3A_75 : memref<1x80x64xf32, #tpu.memory_space<vmem>> -> memref<80x64xf32, #tpu.memory_space<vmem>>
      %dma_wait3A_77 = arith.constant 0 : i32
      %dma_wait3A_78 = tpu.memref_slice %arg9[%scan3A_14, %dma_wait3A_77] : memref<125x80xi32, #tpu.memory_space<vmem>> -> memref<1x80xi32, #tpu.memory_space<vmem>>
      %dma_wait3A_79 = tpu.memref_squeeze %dma_wait3A_78 : memref<1x80xi32, #tpu.memory_space<vmem>> -> memref<80xi32, #tpu.memory_space<vmem>>
      %dma_wait3A_80 = arith.constant 0 : i32
      %dma_wait3A_81 = arith.constant 0 : i32
      %dma_wait3A_82 = tpu.memref_slice %arg2[%dma_wait3A_80, %dma_wait3A_81] : memref<10000x64xf32, #tpu.memory_space<hbm>> -> memref<10000x64xf32, #tpu.memory_space<hbm>>
      tpu.wait_indirect_dma semaphore(%arg15 : memref<!tpu.dma_semaphore, #tpu.memory_space<semaphore_mem>>) src(%dma_wait3A_82 : memref<10000x64xf32, #tpu.memory_space<hbm>>) dst(%dma_wait3A_76 : memref<80x64xf32, #tpu.memory_space<vmem>>)
      %scan3A_83 = arith.constant 0 : i32
      %scan3A_84 = arith.constant 0 : i32
      %scan3A_85 = arith.constant 80 : i32
      %scan3A_86 = arith.addi %scan3A_84, %scan3A_85 : i32
      %scan3A_87 = arith.constant 1 : i32
      scf.for %scan3A_89 = %scan3A_84 to %scan3A_86 step %scan3A_87  : i32 {
        %broadcast_in_dim3A = vector.broadcast %scan3A_89 : i32 to vector<16xi32>
        %gather3A = tpu.vector_load_idx %arg13[%broadcast_in_dim3A] : memref<80xf32, #tpu.memory_space<vmem>>[vector<16xi32>], vector<16xf32>,
        %get3A_90 = arith.constant 0 : i32
        %get3A_91 = arith.index_cast %get3A_90 : i32 to index
        %get3A_92 = arith.index_cast %scan3A_89 : i32 to index
        %get3A_93 = arith.constant 0 : index
        %get3A_94 = tpu.vector_load %arg11[%get3A_91, %get3A_92, %get3A_93] {strides = array<i32>} : memref<2x80x64xf32, #tpu.memory_space<vmem>>, vector<16xf32>,
        %mul3A_95 = arith.mulf %get3A_94, %gather3A : vector<16xf32>
        %swap3A_96 = arith.constant 0 : i32
        %swap3A_97 = arith.index_cast %swap3A_96 : i32 to index
        %swap3A_98 = arith.index_cast %scan3A_89 : i32 to index
        %swap3A_99 = arith.constant 0 : index
        %swap3A_100 = tpu.vector_load %arg11[%swap3A_97, %swap3A_98, %swap3A_99] {strides = array<i32>} : memref<2x80x64xf32, #tpu.memory_space<vmem>>, vector<16xf32>,
        tpu.vector_store %arg11[%swap3A_97, %swap3A_98, %swap3A_99], %mul3A_95 {strides = array<i32>} : memref<2x80x64xf32, #tpu.memory_space<vmem>>, vector<16xf32>,
        %get3A_101 = arith.constant 0 : i32
        %get3A_102 = arith.index_cast %get3A_101 : i32 to index
        %get3A_103 = arith.index_cast %scan3A_89 : i32 to index
        %get3A_104 = arith.constant 16 : index
        %get3A_105 = tpu.vector_load %arg11[%get3A_102, %get3A_103, %get3A_104] {strides = array<i32>} : memref<2x80x64xf32, #tpu.memory_space<vmem>>, vector<16xf32>,
        %mul3A_106 = arith.mulf %get3A_105, %gather3A : vector<16xf32>
        %swap3A_107 = arith.constant 0 : i32
        %swap3A_108 = arith.index_cast %swap3A_107 : i32 to index
        %swap3A_109 = arith.index_cast %scan3A_89 : i32 to index
        %swap3A_110 = arith.constant 16 : index
        %swap3A_111 = tpu.vector_load %arg11[%swap3A_108, %swap3A_109, %swap3A_110] {strides = array<i32>} : memref<2x80x64xf32, #tpu.memory_space<vmem>>, vector<16xf32>,
        tpu.vector_store %arg11[%swap3A_108, %swap3A_109, %swap3A_110], %mul3A_106 {strides = array<i32>} : memref<2x80x64xf32, #tpu.memory_space<vmem>>, vector<16xf32>,
        %get3A_112 = arith.constant 0 : i32
        %get3A_113 = arith.index_cast %get3A_112 : i32 to index
        %get3A_114 = arith.index_cast %scan3A_89 : i32 to index
        %get3A_115 = arith.constant 32 : index
        %get3A_116 = tpu.vector_load %arg11[%get3A_113, %get3A_114, %get3A_115] {strides = array<i32>} : memref<2x80x64xf32, #tpu.memory_space<vmem>>, vector<16xf32>,
        %mul3A_117 = arith.mulf %get3A_116, %gather3A : vector<16xf32>
        %swap3A_118 = arith.constant 0 : i32
        %swap3A_119 = arith.index_cast %swap3A_118 : i32 to index
        %swap3A_120 = arith.index_cast %scan3A_89 : i32 to index
        %swap3A_121 = arith.constant 32 : index
        %swap3A_122 = tpu.vector_load %arg11[%swap3A_119, %swap3A_120, %swap3A_121] {strides = array<i32>} : memref<2x80x64xf32, #tpu.memory_space<vmem>>, vector<16xf32>,
        tpu.vector_store %arg11[%swap3A_119, %swap3A_120, %swap3A_121], %mul3A_117 {strides = array<i32>} : memref<2x80x64xf32, #tpu.memory_space<vmem>>, vector<16xf32>,
        %get3A_123 = arith.constant 0 : i32
        %get3A_124 = arith.index_cast %get3A_123 : i32 to index
        %get3A_125 = arith.index_cast %scan3A_89 : i32 to index
        %get3A_126 = arith.constant 48 : index
        %get3A_127 = tpu.vector_load %arg11[%get3A_124, %get3A_125, %get3A_126] {strides = array<i32>} : memref<2x80x64xf32, #tpu.memory_space<vmem>>, vector<16xf32>,
        %mul3A_128 = arith.mulf %get3A_127, %gather3A : vector<16xf32>
        %swap3A_129 = arith.constant 0 : i32
        %swap3A_130 = arith.index_cast %swap3A_129 : i32 to index
        %swap3A_131 = arith.index_cast %scan3A_89 : i32 to index
        %swap3A_132 = arith.constant 48 : index
        %swap3A_133 = tpu.vector_load %arg11[%swap3A_130, %swap3A_131, %swap3A_132] {strides = array<i32>} : memref<2x80x64xf32, #tpu.memory_space<vmem>>, vector<16xf32>,
        tpu.vector_store %arg11[%swap3A_130, %swap3A_131, %swap3A_132], %mul3A_128 {strides = array<i32>} : memref<2x80x64xf32, #tpu.memory_space<vmem>>, vector<16xf32>,
      }
      %scan3A_88 = arith.constant 80 : i32
      %run_scoped3A = arith.constant 0 : i32
      "tpu.region"() ({
        %run_scoped3A_89 = tpu.sem_alloc : memref<!tpu.dma_semaphore, #tpu.memory_space<semaphore_mem>>
        %dma_start3A_90 = arith.constant 0 : i32
        %dma_start3A_91 = arith.constant 0 : i32
        %dma_start3A_92 = tpu.memref_slice %arg11[%run_scoped3A, %dma_start3A_90, %dma_start3A_91] : memref<2x80x64xf32, #tpu.memory_space<vmem>> -> memref<1x80x64xf32, #tpu.memory_space<vmem>>
        %dma_start3A_93 = tpu.memref_squeeze %dma_start3A_92 : memref<1x80x64xf32, #tpu.memory_space<vmem>> -> memref<80x64xf32, #tpu.memory_space<vmem>>
        %dma_start3A_94 = arith.constant 0 : i32
        %dma_start3A_95 = arith.constant 0 : i32
        %dma_start3A_96 = tpu.memref_slice %arg14[%dma_start3A_94, %dma_start3A_95] : memref<10000x64xf32, #tpu.memory_space<vmem_shared>> -> memref<10000x64xf32, #tpu.memory_space<vmem_shared>>
        tpu.enqueue_indirect_dma source(%dma_start3A_93 : memref<80x64xf32, #tpu.memory_space<vmem>>) target(%dma_start3A_96 : memref<10000x64xf32, #tpu.memory_space<vmem_shared>>) offsets(%arg12 : memref<80xi32, #tpu.memory_space<vmem>>) semaphore(%run_scoped3A_89 : memref<!tpu.dma_semaphore, #tpu.memory_space<semaphore_mem>>) {add = true}
        %dma_wait3A_97 = arith.constant 0 : i32
        %dma_wait3A_98 = arith.constant 0 : i32
        %dma_wait3A_99 = tpu.memref_slice %arg11[%run_scoped3A, %dma_wait3A_97, %dma_wait3A_98] : memref<2x80x64xf32, #tpu.memory_space<vmem>> -> memref<1x80x64xf32, #tpu.memory_space<vmem>>
        %dma_wait3A_100 = tpu.memref_squeeze %dma_wait3A_99 : memref<1x80x64xf32, #tpu.memory_space<vmem>> -> memref<80x64xf32, #tpu.memory_space<vmem>>
        %dma_wait3A_101 = arith.constant 0 : i32
        %dma_wait3A_102 = arith.constant 0 : i32
        %dma_wait3A_103 = tpu.memref_slice %arg14[%dma_wait3A_101, %dma_wait3A_102] : memref<10000x64xf32, #tpu.memory_space<vmem_shared>> -> memref<10000x64xf32, #tpu.memory_space<vmem_shared>>
        tpu.wait_indirect_dma semaphore(%run_scoped3A_89 : memref<!tpu.dma_semaphore, #tpu.memory_space<semaphore_mem>>) src(%dma_wait3A_100 : memref<80x64xf32, #tpu.memory_space<vmem>>) dst(%dma_wait3A_103 : memref<10000x64xf32, #tpu.memory_space<vmem_shared>>)
        tpu.yield
      }) : () -> ()
    }
    %scan3A_7 = arith.constant 125 : i32
    %barrier3A_8 = arith.constant 0 : index
    tpu.barrier barrier_id(%barrier3A_8)
    %eq3A_9 = arith.constant 0 : i32
    %eq3A_10 = arith.cmpi eq, %arg1, %eq3A_9 : i32
    %convert_element_type3A_11 = arith.extui %eq3A_10 : i1 to i32
    %cond3A_12 = arith.constant 0 : i32
    %cond3A_13 = arith.cmpi ne, %convert_element_type3A_11, %cond3A_12 : i32
    scf.if %cond3A_13 {
      "tpu.region"() ({
        %run_scoped3A = tpu.sem_alloc : memref<!tpu.dma_semaphore, #tpu.memory_space<semaphore_mem>>
        %dma_start3A = arith.constant 0 : i32
        %dma_start3A_14 = arith.constant 0 : i32
        %dma_start3A_15 = tpu.memref_slice %arg7[%arg0, %dma_start3A, %dma_start3A_14] : memref<2x10000x64xf32, #tpu.memory_space<hbm>> -> memref<1x10000x64xf32, #tpu.memory_space<hbm>>
        %dma_start3A_16 = tpu.memref_squeeze %dma_start3A_15 : memref<1x10000x64xf32, #tpu.memory_space<hbm>> -> memref<10000x64xf32, #tpu.memory_space<hbm>>
        tpu.enqueue_dma source(%arg14 : memref<10000x64xf32, #tpu.memory_space<vmem_shared>>) target(%dma_start3A_16 : memref<10000x64xf32, #tpu.memory_space<hbm>>) target_semaphore(%run_scoped3A : memref<!tpu.dma_semaphore, #tpu.memory_space<semaphore_mem>>)
        %dma_wait3A = arith.constant 0 : i32
        %dma_wait3A_17 = arith.constant 0 : i32
        %dma_wait3A_18 = tpu.memref_slice %arg7[%arg0, %dma_wait3A, %dma_wait3A_17] : memref<2x10000x64xf32, #tpu.memory_space<hbm>> -> memref<1x10000x64xf32, #tpu.memory_space<hbm>>
        %dma_wait3A_19 = tpu.memref_squeeze %dma_wait3A_18 : memref<1x10000x64xf32, #tpu.memory_space<hbm>> -> memref<10000x64xf32, #tpu.memory_space<hbm>>
        tpu.wait_dma2 semaphore(%run_scoped3A : memref<!tpu.dma_semaphore, #tpu.memory_space<semaphore_mem>>) src(%arg14 : memref<10000x64xf32, #tpu.memory_space<vmem_shared>>) dst(%dma_wait3A_19 : memref<10000x64xf32, #tpu.memory_space<hbm>>)
        tpu.yield
      }) : () -> ()
    } else {
    }
    return
  }
}

#map = affine_map<(d0, d1) -> (0, 0)>
#map1 = affine_map<(d0, d1) -> (0, 0, 0)>
module attributes {stable_mosaic.version = 14 : i64} {
  func.func @gk(%arg0: i32, %arg1: i32, %arg2: memref<10000x64xf32, #tpu.memory_space<hbm>>, %arg3: memref<10000x64xf32, #tpu.memory_space<hbm>>, %arg4: memref<32x125x80xi32, #tpu.memory_space<hbm>>, %arg5: memref<32x125x80xi32, #tpu.memory_space<hbm>>, %arg6: memref<320000x64xf32, #tpu.memory_space<hbm>>, %arg7: memref<125x80xi32, #tpu.memory_space<vmem>>, %arg8: memref<125x80xi32, #tpu.memory_space<vmem>>, %arg9: memref<80x64xf32, #tpu.memory_space<vmem>>, %arg10: memref<80x64xf32, #tpu.memory_space<vmem>>, %arg11: memref<!tpu.dma_semaphore, #tpu.memory_space<semaphore_mem>>, %arg12: memref<!tpu.dma_semaphore, #tpu.memory_space<semaphore_mem>>) attributes {dimension_semantics = [#tpu.dimension_semantics<core_parallel>, #tpu.dimension_semantics<subcore_parallel>], iteration_bounds = array<i64: 2, 16>, scalar_prefetch = 0 : i64, scratch_operands = 6 : i64, tpu.core_type = #tpu.core_type<sc_vector_subcore>, window_params = [{transform_indices = #map}, {transform_indices = #map}, {transform_indices = #map1}, {transform_indices = #map1}, {transform_indices = #map}]} {
    %mul3A = arith.constant 2 : i32
    %mul3A_0 = arith.muli %arg1, %mul3A : i32
    %add3A = arith.addi %mul3A_0, %arg0 : i32
    "tpu.region"() ({
      %run_scoped3A = tpu.sem_alloc : memref<!tpu.dma_semaphore, #tpu.memory_space<semaphore_mem>>
      %dma_start3A = arith.constant 0 : i32
      %dma_start3A_6 = arith.constant 0 : i32
      %dma_start3A_7 = tpu.memref_slice %arg4[%add3A, %dma_start3A, %dma_start3A_6] : memref<32x125x80xi32, #tpu.memory_space<hbm>> -> memref<1x125x80xi32, #tpu.memory_space<hbm>>
      %dma_start3A_8 = tpu.memref_squeeze %dma_start3A_7 : memref<1x125x80xi32, #tpu.memory_space<hbm>> -> memref<125x80xi32, #tpu.memory_space<hbm>>
      %dma_start3A_9 = arith.constant 0 : i32
      %dma_start3A_10 = arith.constant 0 : i32
      %dma_start3A_11 = tpu.memref_slice %arg4[%add3A, %dma_start3A_9, %dma_start3A_10] : memref<32x125x80xi32, #tpu.memory_space<hbm>> -> memref<1x125x80xi32, #tpu.memory_space<hbm>>
      %dma_start3A_12 = tpu.memref_squeeze %dma_start3A_11 : memref<1x125x80xi32, #tpu.memory_space<hbm>> -> memref<125x80xi32, #tpu.memory_space<hbm>>
      tpu.enqueue_dma source(%dma_start3A_12 : memref<125x80xi32, #tpu.memory_space<hbm>>) target(%arg7 : memref<125x80xi32, #tpu.memory_space<vmem>>) target_semaphore(%run_scoped3A : memref<!tpu.dma_semaphore, #tpu.memory_space<semaphore_mem>>)
      %dma_wait3A = arith.constant 0 : i32
      %dma_wait3A_13 = arith.constant 0 : i32
      %dma_wait3A_14 = tpu.memref_slice %arg4[%add3A, %dma_wait3A, %dma_wait3A_13] : memref<32x125x80xi32, #tpu.memory_space<hbm>> -> memref<1x125x80xi32, #tpu.memory_space<hbm>>
      %dma_wait3A_15 = tpu.memref_squeeze %dma_wait3A_14 : memref<1x125x80xi32, #tpu.memory_space<hbm>> -> memref<125x80xi32, #tpu.memory_space<hbm>>
      %dma_wait3A_16 = arith.constant 0 : i32
      %dma_wait3A_17 = arith.constant 0 : i32
      %dma_wait3A_18 = tpu.memref_slice %arg4[%add3A, %dma_wait3A_16, %dma_wait3A_17] : memref<32x125x80xi32, #tpu.memory_space<hbm>> -> memref<1x125x80xi32, #tpu.memory_space<hbm>>
      %dma_wait3A_19 = tpu.memref_squeeze %dma_wait3A_18 : memref<1x125x80xi32, #tpu.memory_space<hbm>> -> memref<125x80xi32, #tpu.memory_space<hbm>>
      tpu.wait_dma2 semaphore(%run_scoped3A : memref<!tpu.dma_semaphore, #tpu.memory_space<semaphore_mem>>) src(%dma_wait3A_19 : memref<125x80xi32, #tpu.memory_space<hbm>>) dst(%arg7 : memref<125x80xi32, #tpu.memory_space<vmem>>)
      tpu.yield
    }) : () -> ()
    "tpu.region"() ({
      %run_scoped3A = tpu.sem_alloc : memref<!tpu.dma_semaphore, #tpu.memory_space<semaphore_mem>>
      %dma_start3A = arith.constant 0 : i32
      %dma_start3A_6 = arith.constant 0 : i32
      %dma_start3A_7 = tpu.memref_slice %arg5[%add3A, %dma_start3A, %dma_start3A_6] : memref<32x125x80xi32, #tpu.memory_space<hbm>> -> memref<1x125x80xi32, #tpu.memory_space<hbm>>
      %dma_start3A_8 = tpu.memref_squeeze %dma_start3A_7 : memref<1x125x80xi32, #tpu.memory_space<hbm>> -> memref<125x80xi32, #tpu.memory_space<hbm>>
      %dma_start3A_9 = arith.constant 0 : i32
      %dma_start3A_10 = arith.constant 0 : i32
      %dma_start3A_11 = tpu.memref_slice %arg5[%add3A, %dma_start3A_9, %dma_start3A_10] : memref<32x125x80xi32, #tpu.memory_space<hbm>> -> memref<1x125x80xi32, #tpu.memory_space<hbm>>
      %dma_start3A_12 = tpu.memref_squeeze %dma_start3A_11 : memref<1x125x80xi32, #tpu.memory_space<hbm>> -> memref<125x80xi32, #tpu.memory_space<hbm>>
      tpu.enqueue_dma source(%dma_start3A_12 : memref<125x80xi32, #tpu.memory_space<hbm>>) target(%arg8 : memref<125x80xi32, #tpu.memory_space<vmem>>) target_semaphore(%run_scoped3A : memref<!tpu.dma_semaphore, #tpu.memory_space<semaphore_mem>>)
      %dma_wait3A = arith.constant 0 : i32
      %dma_wait3A_13 = arith.constant 0 : i32
      %dma_wait3A_14 = tpu.memref_slice %arg5[%add3A, %dma_wait3A, %dma_wait3A_13] : memref<32x125x80xi32, #tpu.memory_space<hbm>> -> memref<1x125x80xi32, #tpu.memory_space<hbm>>
      %dma_wait3A_15 = tpu.memref_squeeze %dma_wait3A_14 : memref<1x125x80xi32, #tpu.memory_space<hbm>> -> memref<125x80xi32, #tpu.memory_space<hbm>>
      %dma_wait3A_16 = arith.constant 0 : i32
      %dma_wait3A_17 = arith.constant 0 : i32
      %dma_wait3A_18 = tpu.memref_slice %arg5[%add3A, %dma_wait3A_16, %dma_wait3A_17] : memref<32x125x80xi32, #tpu.memory_space<hbm>> -> memref<1x125x80xi32, #tpu.memory_space<hbm>>
      %dma_wait3A_19 = tpu.memref_squeeze %dma_wait3A_18 : memref<1x125x80xi32, #tpu.memory_space<hbm>> -> memref<125x80xi32, #tpu.memory_space<hbm>>
      tpu.wait_dma2 semaphore(%run_scoped3A : memref<!tpu.dma_semaphore, #tpu.memory_space<semaphore_mem>>) src(%dma_wait3A_19 : memref<125x80xi32, #tpu.memory_space<hbm>>) dst(%arg8 : memref<125x80xi32, #tpu.memory_space<vmem>>)
      tpu.yield
    }) : () -> ()
    %scan3A = arith.constant 0 : i32
    %scan3A_1 = arith.constant 0 : i32
    %scan3A_2 = arith.constant 125 : i32
    %scan3A_3 = arith.addi %scan3A_1, %scan3A_2 : i32
    %scan3A_4 = arith.constant 1 : i32
    scf.for %scan3A_6 = %scan3A_1 to %scan3A_3 step %scan3A_4  : i32 {
      %mul3A_7 = arith.constant 10000 : i32
      %mul3A_8 = arith.muli %add3A, %mul3A_7 : i32
      %mul3A_9 = arith.constant 80 : i32
      %mul3A_10 = arith.muli %scan3A_6, %mul3A_9 : i32
      %add3A_11 = arith.addi %mul3A_8, %mul3A_10 : i32
      %dma_start3A = arith.constant 0 : i32
      %dma_start3A_12 = tpu.memref_slice %arg7[%scan3A_6, %dma_start3A] : memref<125x80xi32, #tpu.memory_space<vmem>> -> memref<1x80xi32, #tpu.memory_space<vmem>>
      %dma_start3A_13 = tpu.memref_squeeze %dma_start3A_12 : memref<1x80xi32, #tpu.memory_space<vmem>> -> memref<80xi32, #tpu.memory_space<vmem>>
      %dma_start3A_14 = arith.constant 0 : i32
      %dma_start3A_15 = arith.constant 0 : i32
      %dma_start3A_16 = tpu.memref_slice %arg2[%dma_start3A_14, %dma_start3A_15] : memref<10000x64xf32, #tpu.memory_space<hbm>> -> memref<10000x64xf32, #tpu.memory_space<hbm>>
      tpu.enqueue_indirect_dma source(%dma_start3A_16 : memref<10000x64xf32, #tpu.memory_space<hbm>>) target(%arg9 : memref<80x64xf32, #tpu.memory_space<vmem>>) offsets(%dma_start3A_13 : memref<80xi32, #tpu.memory_space<vmem>>) semaphore(%arg11 : memref<!tpu.dma_semaphore, #tpu.memory_space<semaphore_mem>>)
      %dma_start3A_17 = arith.constant 0 : i32
      %dma_start3A_18 = tpu.memref_slice %arg8[%scan3A_6, %dma_start3A_17] : memref<125x80xi32, #tpu.memory_space<vmem>> -> memref<1x80xi32, #tpu.memory_space<vmem>>
      %dma_start3A_19 = tpu.memref_squeeze %dma_start3A_18 : memref<1x80xi32, #tpu.memory_space<vmem>> -> memref<80xi32, #tpu.memory_space<vmem>>
      %dma_start3A_20 = arith.constant 0 : i32
      %dma_start3A_21 = arith.constant 0 : i32
      %dma_start3A_22 = tpu.memref_slice %arg3[%dma_start3A_20, %dma_start3A_21] : memref<10000x64xf32, #tpu.memory_space<hbm>> -> memref<10000x64xf32, #tpu.memory_space<hbm>>
      tpu.enqueue_indirect_dma source(%dma_start3A_22 : memref<10000x64xf32, #tpu.memory_space<hbm>>) target(%arg10 : memref<80x64xf32, #tpu.memory_space<vmem>>) offsets(%dma_start3A_19 : memref<80xi32, #tpu.memory_space<vmem>>) semaphore(%arg12 : memref<!tpu.dma_semaphore, #tpu.memory_space<semaphore_mem>>)
      %dma_wait3A = arith.constant 0 : i32
      %dma_wait3A_23 = tpu.memref_slice %arg7[%scan3A_6, %dma_wait3A] : memref<125x80xi32, #tpu.memory_space<vmem>> -> memref<1x80xi32, #tpu.memory_space<vmem>>
      %dma_wait3A_24 = tpu.memref_squeeze %dma_wait3A_23 : memref<1x80xi32, #tpu.memory_space<vmem>> -> memref<80xi32, #tpu.memory_space<vmem>>
      %dma_wait3A_25 = arith.constant 0 : i32
      %dma_wait3A_26 = arith.constant 0 : i32
      %dma_wait3A_27 = tpu.memref_slice %arg2[%dma_wait3A_25, %dma_wait3A_26] : memref<10000x64xf32, #tpu.memory_space<hbm>> -> memref<10000x64xf32, #tpu.memory_space<hbm>>
      tpu.wait_indirect_dma semaphore(%arg11 : memref<!tpu.dma_semaphore, #tpu.memory_space<semaphore_mem>>) src(%dma_wait3A_27 : memref<10000x64xf32, #tpu.memory_space<hbm>>) dst(%arg9 : memref<80x64xf32, #tpu.memory_space<vmem>>)
      %dma_wait3A_28 = arith.constant 0 : i32
      %dma_wait3A_29 = tpu.memref_slice %arg8[%scan3A_6, %dma_wait3A_28] : memref<125x80xi32, #tpu.memory_space<vmem>> -> memref<1x80xi32, #tpu.memory_space<vmem>>
      %dma_wait3A_30 = tpu.memref_squeeze %dma_wait3A_29 : memref<1x80xi32, #tpu.memory_space<vmem>> -> memref<80xi32, #tpu.memory_space<vmem>>
      %dma_wait3A_31 = arith.constant 0 : i32
      %dma_wait3A_32 = arith.constant 0 : i32
      %dma_wait3A_33 = tpu.memref_slice %arg3[%dma_wait3A_31, %dma_wait3A_32] : memref<10000x64xf32, #tpu.memory_space<hbm>> -> memref<10000x64xf32, #tpu.memory_space<hbm>>
      tpu.wait_indirect_dma semaphore(%arg12 : memref<!tpu.dma_semaphore, #tpu.memory_space<semaphore_mem>>) src(%dma_wait3A_33 : memref<10000x64xf32, #tpu.memory_space<hbm>>) dst(%arg10 : memref<80x64xf32, #tpu.memory_space<vmem>>)
      %scan3A_34 = arith.constant 0 : i32
      %scan3A_35 = arith.constant 0 : i32
      %scan3A_36 = arith.constant 80 : i32
      %scan3A_37 = arith.addi %scan3A_35, %scan3A_36 : i32
      %scan3A_38 = arith.constant 1 : i32
      scf.for %scan3A_40 = %scan3A_35 to %scan3A_37 step %scan3A_38  : i32 {
        %get3A = arith.index_cast %scan3A_40 : i32 to index
        %get3A_41 = arith.constant 0 : index
        %get3A_42 = tpu.vector_load %arg9[%get3A, %get3A_41] {strides = array<i32>} : memref<80x64xf32, #tpu.memory_space<vmem>>, vector<16xf32>,
        %get3A_43 = arith.index_cast %scan3A_40 : i32 to index
        %get3A_44 = arith.constant 0 : index
        %get3A_45 = tpu.vector_load %arg10[%get3A_43, %get3A_44] {strides = array<i32>} : memref<80x64xf32, #tpu.memory_space<vmem>>, vector<16xf32>,
        %add3A_46 = arith.addf %get3A_42, %get3A_45 : vector<16xf32>
        %swap3A = arith.index_cast %scan3A_40 : i32 to index
        %swap3A_47 = arith.constant 0 : index
        %swap3A_48 = tpu.vector_load %arg9[%swap3A, %swap3A_47] {strides = array<i32>} : memref<80x64xf32, #tpu.memory_space<vmem>>, vector<16xf32>,
        tpu.vector_store %arg9[%swap3A, %swap3A_47], %add3A_46 {strides = array<i32>} : memref<80x64xf32, #tpu.memory_space<vmem>>, vector<16xf32>,
        %get3A_49 = arith.index_cast %scan3A_40 : i32 to index
        %get3A_50 = arith.constant 16 : index
        %get3A_51 = tpu.vector_load %arg9[%get3A_49, %get3A_50] {strides = array<i32>} : memref<80x64xf32, #tpu.memory_space<vmem>>, vector<16xf32>,
        %get3A_52 = arith.index_cast %scan3A_40 : i32 to index
        %get3A_53 = arith.constant 16 : index
        %get3A_54 = tpu.vector_load %arg10[%get3A_52, %get3A_53] {strides = array<i32>} : memref<80x64xf32, #tpu.memory_space<vmem>>, vector<16xf32>,
        %add3A_55 = arith.addf %get3A_51, %get3A_54 : vector<16xf32>
        %swap3A_56 = arith.index_cast %scan3A_40 : i32 to index
        %swap3A_57 = arith.constant 16 : index
        %swap3A_58 = tpu.vector_load %arg9[%swap3A_56, %swap3A_57] {strides = array<i32>} : memref<80x64xf32, #tpu.memory_space<vmem>>, vector<16xf32>,
        tpu.vector_store %arg9[%swap3A_56, %swap3A_57], %add3A_55 {strides = array<i32>} : memref<80x64xf32, #tpu.memory_space<vmem>>, vector<16xf32>,
        %get3A_59 = arith.index_cast %scan3A_40 : i32 to index
        %get3A_60 = arith.constant 32 : index
        %get3A_61 = tpu.vector_load %arg9[%get3A_59, %get3A_60] {strides = array<i32>} : memref<80x64xf32, #tpu.memory_space<vmem>>, vector<16xf32>,
        %get3A_62 = arith.index_cast %scan3A_40 : i32 to index
        %get3A_63 = arith.constant 32 : index
        %get3A_64 = tpu.vector_load %arg10[%get3A_62, %get3A_63] {strides = array<i32>} : memref<80x64xf32, #tpu.memory_space<vmem>>, vector<16xf32>,
        %add3A_65 = arith.addf %get3A_61, %get3A_64 : vector<16xf32>
        %swap3A_66 = arith.index_cast %scan3A_40 : i32 to index
        %swap3A_67 = arith.constant 32 : index
        %swap3A_68 = tpu.vector_load %arg9[%swap3A_66, %swap3A_67] {strides = array<i32>} : memref<80x64xf32, #tpu.memory_space<vmem>>, vector<16xf32>,
        tpu.vector_store %arg9[%swap3A_66, %swap3A_67], %add3A_65 {strides = array<i32>} : memref<80x64xf32, #tpu.memory_space<vmem>>, vector<16xf32>,
        %get3A_69 = arith.index_cast %scan3A_40 : i32 to index
        %get3A_70 = arith.constant 48 : index
        %get3A_71 = tpu.vector_load %arg9[%get3A_69, %get3A_70] {strides = array<i32>} : memref<80x64xf32, #tpu.memory_space<vmem>>, vector<16xf32>,
        %get3A_72 = arith.index_cast %scan3A_40 : i32 to index
        %get3A_73 = arith.constant 48 : index
        %get3A_74 = tpu.vector_load %arg10[%get3A_72, %get3A_73] {strides = array<i32>} : memref<80x64xf32, #tpu.memory_space<vmem>>, vector<16xf32>,
        %add3A_75 = arith.addf %get3A_71, %get3A_74 : vector<16xf32>
        %swap3A_76 = arith.index_cast %scan3A_40 : i32 to index
        %swap3A_77 = arith.constant 48 : index
        %swap3A_78 = tpu.vector_load %arg9[%swap3A_76, %swap3A_77] {strides = array<i32>} : memref<80x64xf32, #tpu.memory_space<vmem>>, vector<16xf32>,
        tpu.vector_store %arg9[%swap3A_76, %swap3A_77], %add3A_75 {strides = array<i32>} : memref<80x64xf32, #tpu.memory_space<vmem>>, vector<16xf32>,
      }
      %scan3A_39 = arith.constant 80 : i32
      "tpu.region"() ({
        %run_scoped3A = tpu.sem_alloc : memref<!tpu.dma_semaphore, #tpu.memory_space<semaphore_mem>>
        %dma_start3A_40 = arith.constant 0 : i32
        %dma_start3A_41 = tpu.memref_slice %arg6[%add3A_11, %dma_start3A_40] : memref<320000x64xf32, #tpu.memory_space<hbm>> -> memref<80x64xf32, #tpu.memory_space<hbm>>
        %dma_start3A_42 = arith.constant 0 : i32
        %dma_start3A_43 = tpu.memref_slice %arg6[%add3A_11, %dma_start3A_42] : memref<320000x64xf32, #tpu.memory_space<hbm>> -> memref<80x64xf32, #tpu.memory_space<hbm>>
        tpu.enqueue_dma source(%arg9 : memref<80x64xf32, #tpu.memory_space<vmem>>) target(%dma_start3A_43 : memref<80x64xf32, #tpu.memory_space<hbm>>) target_semaphore(%run_scoped3A : memref<!tpu.dma_semaphore, #tpu.memory_space<semaphore_mem>>)
        %dma_wait3A_44 = arith.constant 0 : i32
        %dma_wait3A_45 = tpu.memref_slice %arg6[%add3A_11, %dma_wait3A_44] : memref<320000x64xf32, #tpu.memory_space<hbm>> -> memref<80x64xf32, #tpu.memory_space<hbm>>
        %dma_wait3A_46 = arith.constant 0 : i32
        %dma_wait3A_47 = tpu.memref_slice %arg6[%add3A_11, %dma_wait3A_46] : memref<320000x64xf32, #tpu.memory_space<hbm>> -> memref<80x64xf32, #tpu.memory_space<hbm>>
        tpu.wait_dma2 semaphore(%run_scoped3A : memref<!tpu.dma_semaphore, #tpu.memory_space<semaphore_mem>>) src(%arg9 : memref<80x64xf32, #tpu.memory_space<vmem>>) dst(%dma_wait3A_47 : memref<80x64xf32, #tpu.memory_space<hbm>>)
        tpu.yield
      }) : () -> ()
    }
    %scan3A_5 = arith.constant 125 : i32
    return
  }
}

module attributes {stable_mosaic.version = 14 : i64} {
  func.func @_pre_body(%arg0: memref<10000x128xf32, #tpu.memory_space<vmem>>, %arg1: memref<10000x128xf32, #tpu.memory_space<vmem>>, %arg2: memref<128x64xf32, #tpu.memory_space<vmem>>, %arg3: memref<128x64xf32, #tpu.memory_space<vmem>>, %arg4: memref<1x64xf32, #tpu.memory_space<vmem>>, %arg5: memref<128x64xf32, #tpu.memory_space<vmem>>, %arg6: memref<1x64xf32, #tpu.memory_space<vmem>>, %arg7: memref<1x64xf32, #tpu.memory_space<vmem>>, %arg8: memref<1x64xf32, #tpu.memory_space<vmem>>, %arg9: memref<64x64xf32, #tpu.memory_space<vmem>>, %arg10: memref<1x64xf32, #tpu.memory_space<vmem>>, %arg11: memref<1x64xf32, #tpu.memory_space<vmem>>, %arg12: memref<1x64xf32, #tpu.memory_space<vmem>>, %arg13: memref<64x64xf32, #tpu.memory_space<vmem>>, %arg14: memref<1x64xf32, #tpu.memory_space<vmem>>, %arg15: memref<10000x64xf32, #tpu.memory_space<vmem>>, %arg16: memref<10000x64xf32, #tpu.memory_space<vmem>>, %arg17: memref<10000x64xf32, #tpu.memory_space<vmem>>) attributes {dimension_semantics = [], scalar_prefetch = 0 : i64, scratch_operands = 0 : i64, tpu.core_type = #tpu.core_type<tc>} {
    %get3A = arith.constant 0 : index
    %get3A_0 = arith.constant 0 : index
    %get3A_1 = vector.load %arg0[%get3A, %get3A_0] : memref<10000x128xf32, #tpu.memory_space<vmem>>, vector<10000x128xf32>
    %get3A_2 = arith.constant 0 : index
    %get3A_3 = arith.constant 0 : index
    %get3A_4 = vector.load %arg1[%get3A_2, %get3A_3] : memref<10000x128xf32, #tpu.memory_space<vmem>>, vector<10000x128xf32>
    %get3A_5 = arith.constant 0 : index
    %get3A_6 = arith.constant 0 : index
    %get3A_7 = vector.load %arg2[%get3A_5, %get3A_6] : memref<128x64xf32, #tpu.memory_space<vmem>>, vector<128x64xf32>
    %dot_general3A = arith.constant dense<0.000000e+00> : vector<10000x64xf32>
    %dot_general3A_8 = tpu.matmul %get3A_1, %get3A_7, %dot_general3A {dimension_numbers = #tpu.dot_dimension_numbers<[1], [0], [0], [1], [0, 0, 1, 1], [], []>, transpose_lhs_hint = false} : vector<10000x128xf32>, vector<128x64xf32>, vector<10000x64xf32> -> vector<10000x64xf32>
    %get3A_9 = arith.constant 0 : index
    %get3A_10 = arith.constant 0 : index
    %get3A_11 = vector.load %arg4[%get3A_9, %get3A_10] : memref<1x64xf32, #tpu.memory_space<vmem>>, vector<1x64xf32>
    %add3A = vector.broadcast %get3A_11 : vector<1x64xf32> to vector<10000x64xf32>
    %add3A_12 = arith.addf %dot_general3A_8, %add3A : vector<10000x64xf32>
    %swap3A = arith.constant 0 : index
    %swap3A_13 = arith.constant 0 : index
    %swap3A_14 = vector.load %arg15[%swap3A, %swap3A_13] : memref<10000x64xf32, #tpu.memory_space<vmem>>, vector<10000x64xf32>
    tpu.vector_store %arg15[%swap3A, %swap3A_13], %add3A_12 {strides = array<i32>} : memref<10000x64xf32, #tpu.memory_space<vmem>>, vector<10000x64xf32>,
    %get3A_15 = arith.constant 0 : index
    %get3A_16 = arith.constant 0 : index
    %get3A_17 = vector.load %arg3[%get3A_15, %get3A_16] : memref<128x64xf32, #tpu.memory_space<vmem>>, vector<128x64xf32>
    %dot_general3A_18 = arith.constant dense<0.000000e+00> : vector<10000x64xf32>
    %dot_general3A_19 = tpu.matmul %get3A_4, %get3A_17, %dot_general3A_18 {dimension_numbers = #tpu.dot_dimension_numbers<[1], [0], [0], [1], [0, 0, 1, 1], [], []>, transpose_lhs_hint = false} : vector<10000x128xf32>, vector<128x64xf32>, vector<10000x64xf32> -> vector<10000x64xf32>
    %swap3A_20 = arith.constant 0 : index
    %swap3A_21 = arith.constant 0 : index
    %swap3A_22 = vector.load %arg16[%swap3A_20, %swap3A_21] : memref<10000x64xf32, #tpu.memory_space<vmem>>, vector<10000x64xf32>
    tpu.vector_store %arg16[%swap3A_20, %swap3A_21], %dot_general3A_19 {strides = array<i32>} : memref<10000x64xf32, #tpu.memory_space<vmem>>, vector<10000x64xf32>,
    %get3A_23 = arith.constant 0 : index
    %get3A_24 = arith.constant 0 : index
    %get3A_25 = vector.load %arg5[%get3A_23, %get3A_24] : memref<128x64xf32, #tpu.memory_space<vmem>>, vector<128x64xf32>
    %dot_general3A_26 = arith.constant dense<0.000000e+00> : vector<10000x64xf32>
    %dot_general3A_27 = tpu.matmul %get3A_4, %get3A_25, %dot_general3A_26 {dimension_numbers = #tpu.dot_dimension_numbers<[1], [0], [0], [1], [0, 0, 1, 1], [], []>, transpose_lhs_hint = false} : vector<10000x128xf32>, vector<128x64xf32>, vector<10000x64xf32> -> vector<10000x64xf32>
    %get3A_28 = arith.constant 0 : index
    %get3A_29 = arith.constant 0 : index
    %get3A_30 = vector.load %arg6[%get3A_28, %get3A_29] : memref<1x64xf32, #tpu.memory_space<vmem>>, vector<1x64xf32>
    %add3A_31 = vector.broadcast %get3A_30 : vector<1x64xf32> to vector<10000x64xf32>
    %add3A_32 = arith.addf %dot_general3A_27, %add3A_31 : vector<10000x64xf32>
    %get3A_33 = arith.constant 0 : index
    %get3A_34 = arith.constant 0 : index
    %get3A_35 = vector.load %arg7[%get3A_33, %get3A_34] : memref<1x64xf32, #tpu.memory_space<vmem>>, vector<1x64xf32>
    %get3A_36 = arith.constant 0 : index
    %get3A_37 = arith.constant 0 : index
    %get3A_38 = vector.load %arg8[%get3A_36, %get3A_37] : memref<1x64xf32, #tpu.memory_space<vmem>>, vector<1x64xf32>
    %reduce_sum3A = arith.constant dense<0.000000e+00> : vector<10000xf32>
    %reduce_sum3A_39 = vector.multi_reduction <add>, %add3A_32, %reduce_sum3A [1] : vector<10000x64xf32> to vector<10000xf32>
    %broadcast_in_dim3A = vector.shape_cast %reduce_sum3A_39 : vector<10000xf32> to vector<10000x1xf32>
    %div3A = arith.constant 6.400000e+01 : f32
    %div3A_40 = vector.broadcast %div3A : f32 to vector<10000x1xf32>
    %div3A_41 = arith.divf %broadcast_in_dim3A, %div3A_40 : vector<10000x1xf32>
    %jit3A = arith.constant 0 : i32
    %reduce_sum3A_42 = arith.constant dense<0.000000e+00> : vector<10000xf32>
    %reduce_sum3A_43 = vector.multi_reduction <add>, %add3A_32, %reduce_sum3A_42 [1] : vector<10000x64xf32> to vector<10000xf32>
    %broadcast_in_dim3A_44 = vector.shape_cast %reduce_sum3A_43 : vector<10000xf32> to vector<10000x1xf32>
    %div3A_45 = arith.constant 6.400000e+01 : f32
    %div3A_46 = vector.broadcast %div3A_45 : f32 to vector<10000x1xf32>
    %div3A_47 = arith.divf %broadcast_in_dim3A_44, %div3A_46 : vector<10000x1xf32>
    %sub3A = vector.broadcast %div3A_47 : vector<10000x1xf32> to vector<10000x64xf32>
    %sub3A_48 = arith.subf %add3A_32, %sub3A : vector<10000x64xf32>
    %square3A = arith.mulf %sub3A_48, %sub3A_48 : vector<10000x64xf32>
    %convert_element_type3A = arith.sitofp %jit3A : i32 to f32
    %sub3A_49 = arith.constant 6.400000e+01 : f32
    %sub3A_50 = arith.subf %sub3A_49, %convert_element_type3A : f32
    %reduce_sum3A_51 = arith.constant dense<0.000000e+00> : vector<10000xf32>
    %reduce_sum3A_52 = vector.multi_reduction <add>, %square3A, %reduce_sum3A_51 [1] : vector<10000x64xf32> to vector<10000xf32>
    %broadcast_in_dim3A_53 = vector.shape_cast %reduce_sum3A_52 : vector<10000xf32> to vector<10000x1xf32>
    %div3A_54 = vector.broadcast %sub3A_50 : f32 to vector<10000x1xf32>
    %div3A_55 = arith.divf %broadcast_in_dim3A_53, %div3A_54 : vector<10000x1xf32>
    %gt3A = arith.constant 0.000000e+00 : f32
    %gt3A_56 = arith.cmpf ogt, %sub3A_50, %gt3A : f32
    %jit3A_57 = arith.constant 0x7FC00000 : f32
    %broadcast_in_dim3A_58 = vector.broadcast %jit3A_57 : f32 to vector<10000x1xf32>
    %select_n3A = arith.select %gt3A_56, %div3A_55, %broadcast_in_dim3A_58 : vector<10000x1xf32>
    %sub3A_59 = vector.broadcast %div3A_41 : vector<10000x1xf32> to vector<10000x64xf32>
    %sub3A_60 = arith.subf %add3A_32, %sub3A_59 : vector<10000x64xf32>
    %add3A_61 = arith.constant 1.000000e-03 : f32
    %add3A_62 = vector.broadcast %add3A_61 : f32 to vector<10000x1xf32>
    %add3A_63 = arith.addf %select_n3A, %add3A_62 : vector<10000x1xf32>
    %sqrt3A = math.sqrt %add3A_63 : vector<10000x1xf32>
    %div3A_64 = vector.broadcast %sqrt3A : vector<10000x1xf32> to vector<10000x64xf32>
    %div3A_65 = arith.divf %sub3A_60, %div3A_64 : vector<10000x64xf32>
    %mul3A = vector.broadcast %get3A_35 : vector<1x64xf32> to vector<10000x64xf32>
    %mul3A_66 = arith.mulf %div3A_65, %mul3A : vector<10000x64xf32>
    %add3A_67 = vector.broadcast %get3A_38 : vector<1x64xf32> to vector<10000x64xf32>
    %add3A_68 = arith.addf %mul3A_66, %add3A_67 : vector<10000x64xf32>
    %max3A = arith.constant 0.000000e+00 : f32
    %max3A_69 = vector.broadcast %max3A : f32 to vector<10000x64xf32>
    %max3A_70 = arith.maximumf %add3A_68, %max3A_69 : vector<10000x64xf32>
    %get3A_71 = arith.constant 0 : index
    %get3A_72 = arith.constant 0 : index
    %get3A_73 = vector.load %arg9[%get3A_71, %get3A_72] : memref<64x64xf32, #tpu.memory_space<vmem>>, vector<64x64xf32>
    %dot_general3A_74 = arith.constant dense<0.000000e+00> : vector<10000x64xf32>
    %dot_general3A_75 = tpu.matmul %max3A_70, %get3A_73, %dot_general3A_74 {dimension_numbers = #tpu.dot_dimension_numbers<[1], [0], [0], [1], [0, 0, 1, 1], [], []>, transpose_lhs_hint = false} : vector<10000x64xf32>, vector<64x64xf32>, vector<10000x64xf32> -> vector<10000x64xf32>
    %get3A_76 = arith.constant 0 : index
    %get3A_77 = arith.constant 0 : index
    %get3A_78 = vector.load %arg10[%get3A_76, %get3A_77] : memref<1x64xf32, #tpu.memory_space<vmem>>, vector<1x64xf32>
    %add3A_79 = vector.broadcast %get3A_78 : vector<1x64xf32> to vector<10000x64xf32>
    %add3A_80 = arith.addf %dot_general3A_75, %add3A_79 : vector<10000x64xf32>
    %get3A_81 = arith.constant 0 : index
    %get3A_82 = arith.constant 0 : index
    %get3A_83 = vector.load %arg11[%get3A_81, %get3A_82] : memref<1x64xf32, #tpu.memory_space<vmem>>, vector<1x64xf32>
    %get3A_84 = arith.constant 0 : index
    %get3A_85 = arith.constant 0 : index
    %get3A_86 = vector.load %arg12[%get3A_84, %get3A_85] : memref<1x64xf32, #tpu.memory_space<vmem>>, vector<1x64xf32>
    %reduce_sum3A_87 = arith.constant dense<0.000000e+00> : vector<10000xf32>
    %reduce_sum3A_88 = vector.multi_reduction <add>, %add3A_80, %reduce_sum3A_87 [1] : vector<10000x64xf32> to vector<10000xf32>
    %broadcast_in_dim3A_89 = vector.shape_cast %reduce_sum3A_88 : vector<10000xf32> to vector<10000x1xf32>
    %div3A_90 = arith.constant 6.400000e+01 : f32
    %div3A_91 = vector.broadcast %div3A_90 : f32 to vector<10000x1xf32>
    %div3A_92 = arith.divf %broadcast_in_dim3A_89, %div3A_91 : vector<10000x1xf32>
    %jit3A_93 = arith.constant 0 : i32
    %reduce_sum3A_94 = arith.constant dense<0.000000e+00> : vector<10000xf32>
    %reduce_sum3A_95 = vector.multi_reduction <add>, %add3A_80, %reduce_sum3A_94 [1] : vector<10000x64xf32> to vector<10000xf32>
    %broadcast_in_dim3A_96 = vector.shape_cast %reduce_sum3A_95 : vector<10000xf32> to vector<10000x1xf32>
    %div3A_97 = arith.constant 6.400000e+01 : f32
    %div3A_98 = vector.broadcast %div3A_97 : f32 to vector<10000x1xf32>
    %div3A_99 = arith.divf %broadcast_in_dim3A_96, %div3A_98 : vector<10000x1xf32>
    %sub3A_100 = vector.broadcast %div3A_99 : vector<10000x1xf32> to vector<10000x64xf32>
    %sub3A_101 = arith.subf %add3A_80, %sub3A_100 : vector<10000x64xf32>
    %square3A_102 = arith.mulf %sub3A_101, %sub3A_101 : vector<10000x64xf32>
    %convert_element_type3A_103 = arith.sitofp %jit3A_93 : i32 to f32
    %sub3A_104 = arith.constant 6.400000e+01 : f32
    %sub3A_105 = arith.subf %sub3A_104, %convert_element_type3A_103 : f32
    %reduce_sum3A_106 = arith.constant dense<0.000000e+00> : vector<10000xf32>
    %reduce_sum3A_107 = vector.multi_reduction <add>, %square3A_102, %reduce_sum3A_106 [1] : vector<10000x64xf32> to vector<10000xf32>
    %broadcast_in_dim3A_108 = vector.shape_cast %reduce_sum3A_107 : vector<10000xf32> to vector<10000x1xf32>
    %div3A_109 = vector.broadcast %sub3A_105 : f32 to vector<10000x1xf32>
    %div3A_110 = arith.divf %broadcast_in_dim3A_108, %div3A_109 : vector<10000x1xf32>
    %gt3A_111 = arith.constant 0.000000e+00 : f32
    %gt3A_112 = arith.cmpf ogt, %sub3A_105, %gt3A_111 : f32
    %jit3A_113 = arith.constant 0x7FC00000 : f32
    %broadcast_in_dim3A_114 = vector.broadcast %jit3A_113 : f32 to vector<10000x1xf32>
    %select_n3A_115 = arith.select %gt3A_112, %div3A_110, %broadcast_in_dim3A_114 : vector<10000x1xf32>
    %sub3A_116 = vector.broadcast %div3A_92 : vector<10000x1xf32> to vector<10000x64xf32>
    %sub3A_117 = arith.subf %add3A_80, %sub3A_116 : vector<10000x64xf32>
    %add3A_118 = arith.constant 1.000000e-03 : f32
    %add3A_119 = vector.broadcast %add3A_118 : f32 to vector<10000x1xf32>
    %add3A_120 = arith.addf %select_n3A_115, %add3A_119 : vector<10000x1xf32>
    %sqrt3A_121 = math.sqrt %add3A_120 : vector<10000x1xf32>
    %div3A_122 = vector.broadcast %sqrt3A_121 : vector<10000x1xf32> to vector<10000x64xf32>
    %div3A_123 = arith.divf %sub3A_117, %div3A_122 : vector<10000x64xf32>
    %mul3A_124 = vector.broadcast %get3A_83 : vector<1x64xf32> to vector<10000x64xf32>
    %mul3A_125 = arith.mulf %div3A_123, %mul3A_124 : vector<10000x64xf32>
    %add3A_126 = vector.broadcast %get3A_86 : vector<1x64xf32> to vector<10000x64xf32>
    %add3A_127 = arith.addf %mul3A_125, %add3A_126 : vector<10000x64xf32>
    %max3A_128 = arith.constant 0.000000e+00 : f32
    %max3A_129 = vector.broadcast %max3A_128 : f32 to vector<10000x64xf32>
    %max3A_130 = arith.maximumf %add3A_127, %max3A_129 : vector<10000x64xf32>
    %get3A_131 = arith.constant 0 : index
    %get3A_132 = arith.constant 0 : index
    %get3A_133 = vector.load %arg13[%get3A_131, %get3A_132] : memref<64x64xf32, #tpu.memory_space<vmem>>, vector<64x64xf32>
    %dot_general3A_134 = arith.constant dense<0.000000e+00> : vector<10000x64xf32>
    %dot_general3A_135 = tpu.matmul %max3A_130, %get3A_133, %dot_general3A_134 {dimension_numbers = #tpu.dot_dimension_numbers<[1], [0], [0], [1], [0, 0, 1, 1], [], []>, transpose_lhs_hint = false} : vector<10000x64xf32>, vector<64x64xf32>, vector<10000x64xf32> -> vector<10000x64xf32>
    %get3A_136 = arith.constant 0 : index
    %get3A_137 = arith.constant 0 : index
    %get3A_138 = vector.load %arg14[%get3A_136, %get3A_137] : memref<1x64xf32, #tpu.memory_space<vmem>>, vector<1x64xf32>
    %add3A_139 = vector.broadcast %get3A_138 : vector<1x64xf32> to vector<10000x64xf32>
    %add3A_140 = arith.addf %dot_general3A_135, %add3A_139 : vector<10000x64xf32>
    %swap3A_141 = arith.constant 0 : index
    %swap3A_142 = arith.constant 0 : index
    %swap3A_143 = vector.load %arg17[%swap3A_141, %swap3A_142] : memref<10000x64xf32, #tpu.memory_space<vmem>>, vector<10000x64xf32>
    tpu.vector_store %arg17[%swap3A_141, %swap3A_142], %add3A_140 {strides = array<i32>} : memref<10000x64xf32, #tpu.memory_space<vmem>>, vector<10000x64xf32>,
    return
  }
}

module attributes {stable_mosaic.version = 14 : i64} {
  func.func @_mlp_body(%arg0: i32, %arg1: memref<1x2560x64xf32, #tpu.memory_space<vmem>>, %arg2: memref<1x64xf32, #tpu.memory_space<vmem>>, %arg3: memref<1x64xf32, #tpu.memory_space<vmem>>, %arg4: memref<64x64xf32, #tpu.memory_space<vmem>>, %arg5: memref<1x64xf32, #tpu.memory_space<vmem>>, %arg6: memref<1x64xf32, #tpu.memory_space<vmem>>, %arg7: memref<1x64xf32, #tpu.memory_space<vmem>>, %arg8: memref<1x64xf32, #tpu.memory_space<vmem>>, %arg9: memref<1x1xf32, #tpu.memory_space<vmem>>, %arg10: memref<1x1x2560xf32, #tpu.memory_space<vmem>>) attributes {dimension_semantics = [#tpu.dimension_semantics<arbitrary>], iteration_bounds = array<i64: 125>, scalar_prefetch = 0 : i64, scratch_operands = 0 : i64, tpu.core_type = #tpu.core_type<tc>, window_params = [{transform_indices = @transform_0, window_bounds = array<i64: 1, 2560, 64>}, {pipeline_mode = #tpu.pipeline_mode<synchronous>, transform_indices = @transform_1, window_bounds = array<i64: 1, 64>}, {pipeline_mode = #tpu.pipeline_mode<synchronous>, transform_indices = @transform_2, window_bounds = array<i64: 1, 64>}, {pipeline_mode = #tpu.pipeline_mode<synchronous>, transform_indices = @transform_3, window_bounds = array<i64: 64, 64>}, {pipeline_mode = #tpu.pipeline_mode<synchronous>, transform_indices = @transform_4, window_bounds = array<i64: 1, 64>}, {pipeline_mode = #tpu.pipeline_mode<synchronous>, transform_indices = @transform_5, window_bounds = array<i64: 1, 64>}, {pipeline_mode = #tpu.pipeline_mode<synchronous>, transform_indices = @transform_6, window_bounds = array<i64: 1, 64>}, {pipeline_mode = #tpu.pipeline_mode<synchronous>, transform_indices = @transform_7, window_bounds = array<i64: 1, 64>}, {pipeline_mode = #tpu.pipeline_mode<synchronous>, transform_indices = @transform_8, window_bounds = array<i64: 1, 1>}, {transform_indices = @transform_9, window_bounds = array<i64: 1, 1, 2560>}]} {
    %get3A = arith.constant 0 : index
    %get3A_0 = arith.constant 0 : index
    %get3A_1 = arith.constant 0 : index
    %get3A_2 = vector.load %arg1[%get3A, %get3A_0, %get3A_1] : memref<1x2560x64xf32, #tpu.memory_space<vmem>>, vector<1x2560x64xf32>
    %get3A_3 = vector.shape_cast %get3A_2 : vector<1x2560x64xf32> to vector<2560x64xf32>
    %get3A_4 = arith.constant 0 : index
    %get3A_5 = arith.constant 0 : index
    %get3A_6 = vector.load %arg2[%get3A_4, %get3A_5] : memref<1x64xf32, #tpu.memory_space<vmem>>, vector<1x64xf32>
    %get3A_7 = arith.constant 0 : index
    %get3A_8 = arith.constant 0 : index
    %get3A_9 = vector.load %arg3[%get3A_7, %get3A_8] : memref<1x64xf32, #tpu.memory_space<vmem>>, vector<1x64xf32>
    %reduce_sum3A = arith.constant dense<0.000000e+00> : vector<2560xf32>
    %reduce_sum3A_10 = vector.multi_reduction <add>, %get3A_3, %reduce_sum3A [1] : vector<2560x64xf32> to vector<2560xf32>
    %broadcast_in_dim3A = vector.shape_cast %reduce_sum3A_10 : vector<2560xf32> to vector<2560x1xf32>
    %div3A = arith.constant 6.400000e+01 : f32
    %div3A_11 = vector.broadcast %div3A : f32 to vector<2560x1xf32>
    %div3A_12 = arith.divf %broadcast_in_dim3A, %div3A_11 : vector<2560x1xf32>
    %jit3A = arith.constant 0 : i32
    %reduce_sum3A_13 = arith.constant dense<0.000000e+00> : vector<2560xf32>
    %reduce_sum3A_14 = vector.multi_reduction <add>, %get3A_3, %reduce_sum3A_13 [1] : vector<2560x64xf32> to vector<2560xf32>
    %broadcast_in_dim3A_15 = vector.shape_cast %reduce_sum3A_14 : vector<2560xf32> to vector<2560x1xf32>
    %div3A_16 = arith.constant 6.400000e+01 : f32
    %div3A_17 = vector.broadcast %div3A_16 : f32 to vector<2560x1xf32>
    %div3A_18 = arith.divf %broadcast_in_dim3A_15, %div3A_17 : vector<2560x1xf32>
    %sub3A = vector.broadcast %div3A_18 : vector<2560x1xf32> to vector<2560x64xf32>
    %sub3A_19 = arith.subf %get3A_3, %sub3A : vector<2560x64xf32>
    %square3A = arith.mulf %sub3A_19, %sub3A_19 : vector<2560x64xf32>
    %convert_element_type3A = arith.sitofp %jit3A : i32 to f32
    %sub3A_20 = arith.constant 6.400000e+01 : f32
    %sub3A_21 = arith.subf %sub3A_20, %convert_element_type3A : f32
    %reduce_sum3A_22 = arith.constant dense<0.000000e+00> : vector<2560xf32>
    %reduce_sum3A_23 = vector.multi_reduction <add>, %square3A, %reduce_sum3A_22 [1] : vector<2560x64xf32> to vector<2560xf32>
    %broadcast_in_dim3A_24 = vector.shape_cast %reduce_sum3A_23 : vector<2560xf32> to vector<2560x1xf32>
    %div3A_25 = vector.broadcast %sub3A_21 : f32 to vector<2560x1xf32>
    %div3A_26 = arith.divf %broadcast_in_dim3A_24, %div3A_25 : vector<2560x1xf32>
    %gt3A = arith.constant 0.000000e+00 : f32
    %gt3A_27 = arith.cmpf ogt, %sub3A_21, %gt3A : f32
    %jit3A_28 = arith.constant 0x7FC00000 : f32
    %broadcast_in_dim3A_29 = vector.broadcast %jit3A_28 : f32 to vector<2560x1xf32>
    %select_n3A = arith.select %gt3A_27, %div3A_26, %broadcast_in_dim3A_29 : vector<2560x1xf32>
    %sub3A_30 = vector.broadcast %div3A_12 : vector<2560x1xf32> to vector<2560x64xf32>
    %sub3A_31 = arith.subf %get3A_3, %sub3A_30 : vector<2560x64xf32>
    %add3A = arith.constant 1.000000e-03 : f32
    %add3A_32 = vector.broadcast %add3A : f32 to vector<2560x1xf32>
    %add3A_33 = arith.addf %select_n3A, %add3A_32 : vector<2560x1xf32>
    %sqrt3A = math.sqrt %add3A_33 : vector<2560x1xf32>
    %div3A_34 = vector.broadcast %sqrt3A : vector<2560x1xf32> to vector<2560x64xf32>
    %div3A_35 = arith.divf %sub3A_31, %div3A_34 : vector<2560x64xf32>
    %mul3A = vector.broadcast %get3A_6 : vector<1x64xf32> to vector<2560x64xf32>
    %mul3A_36 = arith.mulf %div3A_35, %mul3A : vector<2560x64xf32>
    %add3A_37 = vector.broadcast %get3A_9 : vector<1x64xf32> to vector<2560x64xf32>
    %add3A_38 = arith.addf %mul3A_36, %add3A_37 : vector<2560x64xf32>
    %max3A = arith.constant 0.000000e+00 : f32
    %max3A_39 = vector.broadcast %max3A : f32 to vector<2560x64xf32>
    %max3A_40 = arith.maximumf %add3A_38, %max3A_39 : vector<2560x64xf32>
    %get3A_41 = arith.constant 0 : index
    %get3A_42 = arith.constant 0 : index
    %get3A_43 = vector.load %arg4[%get3A_41, %get3A_42] : memref<64x64xf32, #tpu.memory_space<vmem>>, vector<64x64xf32>
    %dot_general3A = arith.constant dense<0.000000e+00> : vector<2560x64xf32>
    %dot_general3A_44 = tpu.matmul %max3A_40, %get3A_43, %dot_general3A {dimension_numbers = #tpu.dot_dimension_numbers<[1], [0], [0], [1], [0, 0, 1, 1], [], []>, transpose_lhs_hint = false} : vector<2560x64xf32>, vector<64x64xf32>, vector<2560x64xf32> -> vector<2560x64xf32>
    %get3A_45 = arith.constant 0 : index
    %get3A_46 = arith.constant 0 : index
    %get3A_47 = vector.load %arg5[%get3A_45, %get3A_46] : memref<1x64xf32, #tpu.memory_space<vmem>>, vector<1x64xf32>
    %add3A_48 = vector.broadcast %get3A_47 : vector<1x64xf32> to vector<2560x64xf32>
    %add3A_49 = arith.addf %dot_general3A_44, %add3A_48 : vector<2560x64xf32>
    %get3A_50 = arith.constant 0 : index
    %get3A_51 = arith.constant 0 : index
    %get3A_52 = vector.load %arg6[%get3A_50, %get3A_51] : memref<1x64xf32, #tpu.memory_space<vmem>>, vector<1x64xf32>
    %get3A_53 = arith.constant 0 : index
    %get3A_54 = arith.constant 0 : index
    %get3A_55 = vector.load %arg7[%get3A_53, %get3A_54] : memref<1x64xf32, #tpu.memory_space<vmem>>, vector<1x64xf32>
    %reduce_sum3A_56 = arith.constant dense<0.000000e+00> : vector<2560xf32>
    %reduce_sum3A_57 = vector.multi_reduction <add>, %add3A_49, %reduce_sum3A_56 [1] : vector<2560x64xf32> to vector<2560xf32>
    %broadcast_in_dim3A_58 = vector.shape_cast %reduce_sum3A_57 : vector<2560xf32> to vector<2560x1xf32>
    %div3A_59 = arith.constant 6.400000e+01 : f32
    %div3A_60 = vector.broadcast %div3A_59 : f32 to vector<2560x1xf32>
    %div3A_61 = arith.divf %broadcast_in_dim3A_58, %div3A_60 : vector<2560x1xf32>
    %jit3A_62 = arith.constant 0 : i32
    %reduce_sum3A_63 = arith.constant dense<0.000000e+00> : vector<2560xf32>
    %reduce_sum3A_64 = vector.multi_reduction <add>, %add3A_49, %reduce_sum3A_63 [1] : vector<2560x64xf32> to vector<2560xf32>
    %broadcast_in_dim3A_65 = vector.shape_cast %reduce_sum3A_64 : vector<2560xf32> to vector<2560x1xf32>
    %div3A_66 = arith.constant 6.400000e+01 : f32
    %div3A_67 = vector.broadcast %div3A_66 : f32 to vector<2560x1xf32>
    %div3A_68 = arith.divf %broadcast_in_dim3A_65, %div3A_67 : vector<2560x1xf32>
    %sub3A_69 = vector.broadcast %div3A_68 : vector<2560x1xf32> to vector<2560x64xf32>
    %sub3A_70 = arith.subf %add3A_49, %sub3A_69 : vector<2560x64xf32>
    %square3A_71 = arith.mulf %sub3A_70, %sub3A_70 : vector<2560x64xf32>
    %convert_element_type3A_72 = arith.sitofp %jit3A_62 : i32 to f32
    %sub3A_73 = arith.constant 6.400000e+01 : f32
    %sub3A_74 = arith.subf %sub3A_73, %convert_element_type3A_72 : f32
    %reduce_sum3A_75 = arith.constant dense<0.000000e+00> : vector<2560xf32>
    %reduce_sum3A_76 = vector.multi_reduction <add>, %square3A_71, %reduce_sum3A_75 [1] : vector<2560x64xf32> to vector<2560xf32>
    %broadcast_in_dim3A_77 = vector.shape_cast %reduce_sum3A_76 : vector<2560xf32> to vector<2560x1xf32>
    %div3A_78 = vector.broadcast %sub3A_74 : f32 to vector<2560x1xf32>
    %div3A_79 = arith.divf %broadcast_in_dim3A_77, %div3A_78 : vector<2560x1xf32>
    %gt3A_80 = arith.constant 0.000000e+00 : f32
    %gt3A_81 = arith.cmpf ogt, %sub3A_74, %gt3A_80 : f32
    %jit3A_82 = arith.constant 0x7FC00000 : f32
    %broadcast_in_dim3A_83 = vector.broadcast %jit3A_82 : f32 to vector<2560x1xf32>
    %select_n3A_84 = arith.select %gt3A_81, %div3A_79, %broadcast_in_dim3A_83 : vector<2560x1xf32>
    %sub3A_85 = vector.broadcast %div3A_61 : vector<2560x1xf32> to vector<2560x64xf32>
    %sub3A_86 = arith.subf %add3A_49, %sub3A_85 : vector<2560x64xf32>
    %add3A_87 = arith.constant 1.000000e-03 : f32
    %add3A_88 = vector.broadcast %add3A_87 : f32 to vector<2560x1xf32>
    %add3A_89 = arith.addf %select_n3A_84, %add3A_88 : vector<2560x1xf32>
    %sqrt3A_90 = math.sqrt %add3A_89 : vector<2560x1xf32>
    %div3A_91 = vector.broadcast %sqrt3A_90 : vector<2560x1xf32> to vector<2560x64xf32>
    %div3A_92 = arith.divf %sub3A_86, %div3A_91 : vector<2560x64xf32>
    %mul3A_93 = vector.broadcast %get3A_52 : vector<1x64xf32> to vector<2560x64xf32>
    %mul3A_94 = arith.mulf %div3A_92, %mul3A_93 : vector<2560x64xf32>
    %add3A_95 = vector.broadcast %get3A_55 : vector<1x64xf32> to vector<2560x64xf32>
    %add3A_96 = arith.addf %mul3A_94, %add3A_95 : vector<2560x64xf32>
    %max3A_97 = arith.constant 0.000000e+00 : f32
    %max3A_98 = vector.broadcast %max3A_97 : f32 to vector<2560x64xf32>
    %max3A_99 = arith.maximumf %add3A_96, %max3A_98 : vector<2560x64xf32>
    %get3A_100 = arith.constant 0 : index
    %get3A_101 = arith.constant 0 : index
    %get3A_102 = vector.load %arg8[%get3A_100, %get3A_101] : memref<1x64xf32, #tpu.memory_space<vmem>>, vector<1x64xf32>
    %mul3A_103 = vector.broadcast %get3A_102 : vector<1x64xf32> to vector<2560x64xf32>
    %mul3A_104 = arith.mulf %max3A_99, %mul3A_103 : vector<2560x64xf32>
    %reduce_sum3A_105 = arith.constant dense<0.000000e+00> : vector<2560xf32>
    %reduce_sum3A_106 = vector.multi_reduction <add>, %mul3A_104, %reduce_sum3A_105 [1] : vector<2560x64xf32> to vector<2560xf32>
    %get3A_107 = arith.constant 0 : index
    %get3A_108 = arith.constant 0 : index
    %get3A_109 = vector.load %arg9[%get3A_107, %get3A_108] : memref<1x1xf32, #tpu.memory_space<vmem>>, vector<1x1xf32>
    %get3A_110 = vector.extract %get3A_109[0, 0] : f32 from vector<1x1xf32>
    %add3A_111 = vector.broadcast %get3A_110 : f32 to vector<2560xf32>
    %add3A_112 = arith.addf %reduce_sum3A_106, %add3A_111 : vector<2560xf32>
    %tanh3A = math.tanh %add3A_112 : vector<2560xf32>
    %swap3A = arith.constant 0 : index
    %swap3A_113 = arith.constant 0 : index
    %swap3A_114 = arith.constant 0 : index
    %swap3A_115 = vector.load %arg10[%swap3A, %swap3A_113, %swap3A_114] : memref<1x1x2560xf32, #tpu.memory_space<vmem>>, vector<1x1x2560xf32>
    %swap3A_116 = vector.shape_cast %swap3A_115 : vector<1x1x2560xf32> to vector<2560xf32>
    %swap3A_117 = vector.shape_cast %tanh3A : vector<2560xf32> to vector<1x1x2560xf32>
    tpu.vector_store %arg10[%swap3A, %swap3A_113, %swap3A_114], %swap3A_117 {strides = array<i32>} : memref<1x1x2560xf32, #tpu.memory_space<vmem>>, vector<1x1x2560xf32>,
    return
  }
  func.func @transform_0(%arg0: i32) -> (i32, i32, i32) {
    %c0_i32 = arith.constant 0 : i32
    %c0_i32_0 = arith.constant 0 : i32
    %c0_i32_1 = arith.constant 0 : i32
    return %arg0, %c0_i32, %c0_i32_0 : i32, i32, i32
  }
  func.func @transform_1(%arg0: i32) -> (i32, i32) {
    %c0_i32 = arith.constant 0 : i32
    %c0_i32_0 = arith.constant 0 : i32
    %c0_i32_1 = arith.constant 0 : i32
    return %c0_i32, %c0_i32_0 : i32, i32
  }
  func.func @transform_2(%arg0: i32) -> (i32, i32) {
    %c0_i32 = arith.constant 0 : i32
    %c0_i32_0 = arith.constant 0 : i32
    %c0_i32_1 = arith.constant 0 : i32
    return %c0_i32, %c0_i32_0 : i32, i32
  }
  func.func @transform_3(%arg0: i32) -> (i32, i32) {
    %c0_i32 = arith.constant 0 : i32
    %c0_i32_0 = arith.constant 0 : i32
    %c0_i32_1 = arith.constant 0 : i32
    return %c0_i32, %c0_i32_0 : i32, i32
  }
  func.func @transform_4(%arg0: i32) -> (i32, i32) {
    %c0_i32 = arith.constant 0 : i32
    %c0_i32_0 = arith.constant 0 : i32
    %c0_i32_1 = arith.constant 0 : i32
    return %c0_i32, %c0_i32_0 : i32, i32
  }
  func.func @transform_5(%arg0: i32) -> (i32, i32) {
    %c0_i32 = arith.constant 0 : i32
    %c0_i32_0 = arith.constant 0 : i32
    %c0_i32_1 = arith.constant 0 : i32
    return %c0_i32, %c0_i32_0 : i32, i32
  }
  func.func @transform_6(%arg0: i32) -> (i32, i32) {
    %c0_i32 = arith.constant 0 : i32
    %c0_i32_0 = arith.constant 0 : i32
    %c0_i32_1 = arith.constant 0 : i32
    return %c0_i32, %c0_i32_0 : i32, i32
  }
  func.func @transform_7(%arg0: i32) -> (i32, i32) {
    %c0_i32 = arith.constant 0 : i32
    %c0_i32_0 = arith.constant 0 : i32
    %c0_i32_1 = arith.constant 0 : i32
    return %c0_i32, %c0_i32_0 : i32, i32
  }
  func.func @transform_8(%arg0: i32) -> (i32, i32) {
    %c0_i32 = arith.constant 0 : i32
    %c0_i32_0 = arith.constant 0 : i32
    %c0_i32_1 = arith.constant 0 : i32
    return %c0_i32, %c0_i32_0 : i32, i32
  }
  func.func @transform_9(%arg0: i32) -> (i32, i32, i32) {
    %c0_i32 = arith.constant 0 : i32
    %c0_i32_0 = arith.constant 0 : i32
    %c0_i32_1 = arith.constant 0 : i32
    return %arg0, %c0_i32, %c0_i32_0 : i32, i32, i32
  }
}

module attributes {stable_mosaic.version = 14 : i64} {
  func.func @_add_body(%arg0: memref<10000x64xf32, #tpu.memory_space<vmem>>, %arg1: memref<10000x64xf32, #tpu.memory_space<vmem>>, %arg2: memref<10000x64xf32, #tpu.memory_space<vmem>>) attributes {dimension_semantics = [], scalar_prefetch = 0 : i64, scratch_operands = 0 : i64, tpu.core_type = #tpu.core_type<tc>} {
    %get3A = arith.constant 0 : index
    %get3A_0 = arith.constant 0 : index
    %get3A_1 = vector.load %arg0[%get3A, %get3A_0] : memref<10000x64xf32, #tpu.memory_space<vmem>>, vector<10000x64xf32>
    %get3A_2 = arith.constant 0 : index
    %get3A_3 = arith.constant 0 : index
    %get3A_4 = vector.load %arg1[%get3A_2, %get3A_3] : memref<10000x64xf32, #tpu.memory_space<vmem>>, vector<10000x64xf32>
    %add3A = arith.addf %get3A_1, %get3A_4 : vector<10000x64xf32>
    %swap3A = arith.constant 0 : index
    %swap3A_5 = arith.constant 0 : index
    %swap3A_6 = vector.load %arg2[%swap3A, %swap3A_5] : memref<10000x64xf32, #tpu.memory_space<vmem>>, vector<10000x64xf32>
    tpu.vector_store %arg2[%swap3A, %swap3A_5], %add3A {strides = array<i32>} : memref<10000x64xf32, #tpu.memory_space<vmem>>, vector<10000x64xf32>,
    return
  }
}

</mosaic_0001>

<sc_bundles>
// kernel: kernel.10.cloned.1.call-start
scs
__scs_entry_jumppad:
0x0: {  	(pc) =	sbr.rel $0x88, $3  }
0x1: {  	(tag) =	ssettag $0x0;
	lr =	simm.s32 $0x1  }
0x2: {  	[smem:$0x3F8A] =	sst lr;
	_ =	strace $0xD0000000  }
0x3: {  	_ = 	snop  }
0x4: {  	_ = 	snop  }
0x5: {  	_ = 	snop  }
0x6: {  	_ = 	snop  }
0x7: {  	_ = 	snop  }
__scs_overlays_trampoline_lowered:
0x8: {  	[smem:$0x3F99] =	sst s0  }
0x9: {  	[smem:$0x3F9A] =	sst s1  }
0xa: {  	[smem:$0x3F9B] =	sst s2  }
0xb: {  	[smem:$0x3F9C] =	sst s3  }
0xc: {  	[smem:$0x3F9D] =	sst s4  }
0xd: {  	[smem:$0x3F9E] =	sst s5  }
0xe: {  	[smem:$0x3F9F] =	sst s6  }
0xf: {  	[smem:$0x3FA0] =	sst s7  }
0x10: {  	[smem:$0x3FA1] =	sst s8  }
0x11: {  	[smem:$0x3FA2] =	sst s9;
	s0 =	simm.s32 @!p0 $0x0  }
0x12: {  	s1 =	sld [smem:$0x3F88];
	s0 =	simm.s32 @p0 $0x1  }
0x13: {  	[smem:$0x3FA3] =	sst s0;
	s0 =	simm.s32 @!p1 $0x0  }
0x14: {  	s2 =	sld [smem:$0x3F87];
	s0 =	simm.s32 @p1 $0x1  }
0x15: {  	[smem:$0x3FA4] =	sst s0;
	s0 =	simm.s32 @!p2 $0x0  }
0x16: {  	s3 =	sld [smem:$0x3FDB];
	s0 =	simm.s32 @p2 $0x1  }
0x17: {  	s4 =	simm.s32 $0x1BF5;
	[smem:$0x3FA6] =	sst s0  }
0x18: {  	s0 =	sld [smem:$0x3F89];
	_ =	swait.ge [sflag:s4], $0x0  }
0x19: {  	s7 =	sld [smem:$0x3F8A]  }
0x1a: {  	s8 =	sadd.s32 $0xFFFFE003, lr  }
0x1b: {  	s9 =	sadd.s32 $0xFFFFFEF7, lr;
	s5 =	simm.s32 $0xFFFFFFFF;
	p2 =	slt.u32 s8, $0xFFFFF086  }
0x1c: {  	p1 =	slt.u32 s9, $0xF7A;
	s5 =	simm.s32 @!p2 $0x0  }
0x1d: {  	s5 =	simm.s32 @p1 $0x1;
	p0 =	seq.s32 s7, s2  }
0x1e: {  	s7 =	smul.u32 @!p0 $0xF7A, s2;
	p2 =	seq.s32 @!p0 s5, $0x0  }
0x1f: {  	s9 =	smul.u32 $0xF7A, s1;
	s8 =	simm.s32 @!p0 $0x1BF5;
	p2 =	por !p2, p0  }
0x20: {  	[sflag:s8] =	ssyncset.s32 @!p0 $0xFFFFF086;
	s6 =	sadd.s32 @!p0 s3, s7;
	s7 =	simm.s32 @!p0 $0x108  }
0x21: {  	s3 =	sadd.s32 s3, s9;
	s6 =	sadd.s32 @!p0 $0x88, s6;
	s7 =	simm.s32 @p2 $0x1082  }
0x22: {  	[simem:s7], [sflag:s8] =	dma.local @!p0 [hbm:s6], $0xF7A  }
0x23: {  	s9 =	sor.u32 $0xD0000000, s2;
	s6 =	simm.s32 $0x108;
	_ =	swait.ge @!p0 [sflag:s8], $0x0  }
0x24: {  	s3 =	sadd.s32 $0x88, s3;
	s6 =	simm.s32 @!p1 $0x1082;
	[sflag:s4] =	ssyncset.s32 $0xFFFFF086  }
0x25: {  	[simem:s6], [sflag:s4] =	dma.local [hbm:s3], $0xF7A  }
0x26: {  	[smem:$0x3F8A] =	sst s1;
	(tag) =	ssettag s2;
	_ =	strace s9  }
0x27: {  	s1 =	sld [smem:$0x3F9A]  }
0x28: {  	s2 =	sld [smem:$0x3F9B]  }
0x29: {  	s4 =	sld [smem:$0x3F9D]  }
0x2a: {  	p0 =	seq.s32 s5, $0x0;
	s5 =	sld [smem:$0x3F9E]  }
0x2b: {  	s6 =	sld [smem:$0x3F9F]  }
0x2c: {  	s7 =	sld [smem:$0x3FA0]  }
0x2d: {  	s3 =	simm.s32 $0x108;
	s8 =	sld [smem:$0x3FA1]  }
0x2e: {  	s3 =	simm.s32 @!p0 $0x1082;
	s9 =	sld [smem:$0x3FA2]  }
0x2f: {  	lr =	sadd.s32 s0, s3;
	s0 =	sld [smem:$0x3F99]  }
0x30: {  	s3 =	sld [smem:$0x3F9C]  }
0x31: {  	[smem:$0x3FA5] =	sst s10  }
0x32: {  	s10 =	sld [smem:$0x3FA3];
	_ =	sdelay $0x3  }
0x33: {  	p0 =	seq.s32 s10, $0x1;
	s10 =	sld [smem:$0x3FA5];
	_ =	sdelay $0x3  }
0x34: {  	[smem:$0x3FA5] =	sst s10  }
0x35: {  	s10 =	sld [smem:$0x3FA4];
	_ =	sdelay $0x3  }
0x36: {  	p1 =	seq.s32 s10, $0x1;
	s10 =	sld [smem:$0x3FA5];
	_ =	sdelay $0x3  }
0x37: {  	[smem:$0x3FA5] =	sst s10  }
0x38: {  	s10 =	sld [smem:$0x3FA6]  }
0x39: {  	_ = 	snop;
	(pc) =	sbr.ind lr, $3  }
0x3a: {  	_ = 	snop  }
0x3b: {  	_ = 	snop  }
0x3c: {  	p2 =	seq.s32 s10, $0x1;
	s10 =	sld [smem:$0x3FA5]  }
0x3d: {  	_ =	shalt  }
0x3e: {  	_ =	shalt  }
0x3f: {  	_ =	shalt  }
0x40: {  	_ =	shalt  }
0x41: {  	_ =	shalt  }
0x42: {  	_ =	shalt  }
0x43: {  	_ =	shalt  }
0x44: {  	_ =	shalt  }
0x45: {  	_ =	shalt  }
0x46: {  	_ =	shalt  }
0x47: {  	_ =	shalt  }
0x48: {  	_ =	shalt  }
0x49: {  	_ =	shalt  }
0x4a: {  	_ =	shalt  }
0x4b: {  	_ =	shalt  }
0x4c: {  	_ =	shalt  }
0x4d: {  	_ =	shalt  }
0x4e: {  	_ =	shalt  }
0x4f: {  	_ =	shalt  }
0x50: {  	_ =	shalt  }
0x51: {  	_ =	shalt  }
0x52: {  	_ =	shalt  }
0x53: {  	_ =	shalt  }
0x54: {  	_ =	shalt  }
0x55: {  	_ =	shalt  }
0x56: {  	_ =	shalt  }
0x57: {  	_ =	shalt  }
0x58: {  	_ =	shalt  }
0x59: {  	_ =	shalt  }
0x5a: {  	_ =	shalt  }
0x5b: {  	_ =	shalt  }
0x5c: {  	_ =	shalt  }
0x5d: {  	_ =	shalt  }
0x5e: {  	_ =	shalt  }
0x5f: {  	_ =	shalt  }
0x60: {  	_ =	shalt  }
0x61: {  	_ =	shalt  }
0x62: {  	_ =	shalt  }
0x63: {  	_ =	shalt  }
0x64: {  	_ =	shalt  }
0x65: {  	_ =	shalt  }
0x66: {  	_ =	shalt  }
0x67: {  	_ =	shalt  }
0x68: {  	_ =	shalt  }
0x69: {  	_ =	shalt  }
0x6a: {  	_ =	shalt  }
0x6b: {  	_ =	shalt  }
0x6c: {  	_ =	shalt  }
0x6d: {  	_ =	shalt  }
0x6e: {  	_ =	shalt  }
0x6f: {  	_ =	shalt  }
0x70: {  	_ =	shalt  }
0x71: {  	_ =	shalt  }
0x72: {  	_ =	shalt  }
0x73: {  	_ =	shalt  }
0x74: {  	_ =	shalt  }
0x75: {  	_ =	shalt  }
0x76: {  	_ =	shalt  }
0x77: {  	_ =	shalt  }
0x78: {  	_ =	shalt  }
0x79: {  	_ =	shalt  }
0x7a: {  	_ =	shalt  }
0x7b: {  	_ =	shalt  }
0x7c: {  	_ =	shalt  }
0x7d: {  	_ =	shalt  }
0x7e: {  	_ =	shalt  }
0x7f: {  	_ =	shalt  }
0x80: {  	_ =	shalt  }
0x81: {  	_ =	shalt  }
0x82: {  	_ =	shalt  }
0x83: {  	_ =	shalt  }
0x84: {  	_ =	shalt  }
0x85: {  	_ =	shalt  }
0x86: {  	_ =	shalt  }
0x87: {  	_ =	shalt  }
.Lfunc_end0:
.L_simem_size_0:
called_computation.1_lowered:
.L_overlay_start_0:
0x88: {  	s2 =	sld [smem:$0x3FD9]  }
0x89: {  	s3 =	sld [smem:$0x3FFE];
	_ =	sdelay $0x1  }
0x8a: {  	s1 =	srdreg.scid  }
0x8b: {  	s0 =	sand.u32 $0x1, s1  }
0x8c: {  	s17 =	sshll.u32 s0, $0xA;
	s2 =	sadd.s32 s3, s2  }
0x8d: {  	s2 =	sadd.s32 s2, s17  }
0x8e: {  	[smem:$0x3FB1] =	sst s2  }
0x8f: {  	_ = 	snop  }
0x90: {  	s2 =	sld [smem:$0x3FD0];
	(tm) =	ssettm $0x1  }
0x91: {  	s18 =	sld [smem:$0x3FFB];
	_ =	sdelay $0x3  }
0x92: {  	_ =	strace s18  }
0x93: {  	s3 =	sld [smem:$0x3FFC];
	_ =	sdelay $0x3  }
0x94: {  	_ =	strace s3  }
0x95: {  	s3 =	sld [smem:$0x3FFD];
	_ =	sdelay $0x3  }
0x96: {  	_ =	strace s3  }
0x97: {  	_ =	strace $0x8FFFFFFF  }
0x98: {  	s19 =	sld [smem:$0x3FDB];
	_ =	sdelay $0x1  }
0x99: {  	s4 =	simm.s32 $_scs_section_size  }
0x9a: {  	s5 =	simm.s32 $_size__tile_overlayer_lowered;
	s6 =	simm.s32 $_tile_overlayer_lowered  }
0x9b: {  	s22 =	simm.s32 $0x1BFF;
	s21 =	sshll.u32 s6, $0x1;
	s3 =	sadd.s32 s4, s19  }
0x9c: {  	s7 =	simm.s32 $0x0;
	s20 =	sshll.u32 s5, $0x1;
	s5 =	sadd.s32 s21, s3  }
0x9d: {  	[timem:s7], [sflag:s22] =	dma.local [hbm:s5], s20  }
0x9e: {  	_ =	swait.ge [sflag:s22], s20  }
0x9f: {  	s4 =	ssub.s32 $0x0, s20;
	[sflag:s22] =	ssyncset.done $0x0  }
0xa0: {  	[sflag:s22] =	ssyncadd.s32 s4;
	_ =	sdelay $0x1  }
0xa1: {  	s23 =	simm.s32 $0x1B8B  }
0xa2: {  	_ =	swait.ge [sflag:s23], $0x1  }
0xa3: {  	[sflag:s23] =	ssyncset.done $0x0  }
0xa4: {  	s25 =	simm.s32 $0x1B8E;
	s24 =	sld [smem:$0x3FFE];
	[sflag:s23] =	ssyncadd.s32 $0xFFFFFFFF  }
0xa5: {  	s26 =	simm.s32 $execute0_lowered;
	[smem:$0x3FD2] =	sst s25  }
0xa6: {  	s5 =	sshll.u32 s26, $0x1;
	_ =	strace $0x80000049;
	[dreg:$0x1] =	wrdreg $0xFFFFFFFF  }
0xa7: {  	s28 =	simm.s32 $_size_execute0_lowered;
	s3 =	sadd.s32 s3, s5;
	[dreg:$0x0] =	wrdreg $0x0  }
0xa8: {  	s5 =	sshll.u32 s28, $0x1;
	[dreg:$0x2] =	wrdreg s3  }
0xa9: {  	[dreg:$0x3] =	wrdreg s5  }
0xaa: {  	[dreg:$0x4] =	wrdreg $0xC0  }
0xab: {  	_ =	task [dreg:s7], $0x5FFFF  }
0xac: {  	[dreg:$0x1] =	wrdreg $0xFFFFFFFF  }
0xad: {  	[dreg:$0x0] =	wrdreg $0x60  }
0xae: {  	[dreg:$0x2] =	wrdreg s2  }
0xaf: {  	[dreg:$0x3] =	wrdreg s24  }
0xb0: {  	[dreg:$0x4] =	wrdreg $0x9DD00  }
0xb1: {  	[dreg:$0x5] =	wrdreg $0x9  }
0xb2: {  	_ =	task.clear_ibuf [dreg:s7], $0x6FFFF;
	_ =	strace $0x90000049  }
0xb3: {  	s29 =	simm.s32 $0x9;
	_ =	strace $0x8000004B  }
0xb4: {  	_ =	swait.ge [sflag:s29], $0x1  }
0xb5: {  	[sflag:s29] =	ssyncadd.s32 $0xFFFFFFFF  }
0xb6: {  	_ =	strace $0x9000004B  }
0xb7: {  	_ =	sfence  }
0xb8: {  	s30 =	sld [smem:$0x0];
	_ =	sdelay $0x2  }
0xb9: {  	s31 =	sshll.u32 s1, $0xD;
	s1 =	sshrl.u32 s1, $0x2  }
0xba: {  	s3 =	sand.u32 $0x4000, s31;
	s1 =	sadd.s32 s1, s30  }
0xbb: {  	s0 =	sor.u32 s3, s0;
	s1 =	sshll.u32 s1, $0x11  }
0xbc: {  	s0 =	sor.u32 s1, s0  }
0xbd: {  	s0 =	sadd.s32 $0x8F2B, s0  }
0xbe: {  	[sflag:s0] =	ssyncadd.remote.s32 $0x1  }
0xbf: {  	_ =	sfence.sel $0xFFFF  }
0xc0: {  	[dreg:$0x0] =	wrdreg $0xFFFFFFFF;
	(pc) =	sbr.abs _section_cstart, $3  }
0xc1: {  	[dreg:$0x1] =	wrdreg $0xFFFFFFFF  }
0xc2: {  	_ =	task.clear_ibuf [dreg:s7], $0x2FFFF;
	_ =	strace $0x9FFFFFFF  }
0xc3: {  	(tm) =	ssettm $0x7FFFFFFF  }
tec
execute0_lowered:
.L_overlay_start_1:
0x0: {  	(tag) =	ssettag $0x1  }
0x1: {  	s0 =	rddreg [dreg:$0x0]  }
0x2: {  	s5 =	rddreg [dreg:$0x1];
	s1 =	srdreg.scid  }
0x3: {  	s8 =	stileid.u32;
	s2 =	rddreg [dreg:$0x2];
	s3 =	simm.s32 $0x0  }
0x4: {  	s12 =	simm.s32 $0x2710;
	s13 =	simm.s32 $0x4E20;
	s14 =	simm.s32 $0x50  }
0x5: {  	s15 =	simm.s32 $0x7530;
	s16 =	simm.s32 $0x1;
	s17 =	simm.s32 $0x9D80  }
0x6: {  	s18 =	simm.s32 $0x9D30;
	s4 =	sand.u32 $0x1, s1;
	s1 =	rddreg [dreg:$0x3]  }
0x7: {  	s19 =	simm.s32 $0x0;
	s6 =	sshll.u32 s8, $0x1;
	[smem:$0x7FF] =	sst s3  }
0x8: {  	p0 =	sne.s32 s8, $0x0;
	s6 =	sor.u32 s4, s6;
	s7 =	smul.u32 $0x13880, s4  }
0x9: {  	_ =	strace $0x8000004A;
	s9 =	ssub.s32 $0x2, s4;
	s6 =	smul.u32 $0x4E2, s6  }
0xa: {  	s4 =	sadd.s32 $0xC400, s5;
	s31 =	sshrl.u32 s9, $0x1;
	s11 =	sadd.s32 s7, s5  }
0xb: {  	s9 =	ssub.s32 s9, s31;
	s10 =	sadd.s32 s6, s5;
	s8 =	sadd.s32 $0x3D600, s11  }
0xc: {  	s9 =	smax.u32 s9, $0x1;
	s11 =	simm.s32 $0x2;
	s5 =	sadd.s32 $0x33800, s10  }
0xd: {  	s6 =	sadd.s32 $0x29A00, s10;
	s7 =	sadd.s32 $0x2600, s10;
	s10 =	sshrl.u32 @!p0 s2, $0x3  }
.LBB2_1:
0xe: {  	s20 =	simm.s32 @!p0 $0x1C02  }
0xf: {  	[spmem:s10], [sflag:s20] =	dma.local @!p0 [hbm:s4], $0x13880  }
0x10: {  	s20 =	simm.s32 @!p0 $0x2  }
0x11: {  	_ =	swait.ge @!p0 [sflag:s20], $0x13880  }
0x12: {  	[sflag:s20] =	ssyncset.done @!p0 $0x0  }
0x13: {  	[sflag:s20] =	ssyncadd.s32 @!p0 $0xFFFEC780  }
0x14: {  	[tilespmem:s3], [sflag:$0x2] =	stream.linear.gather [hbm4b:s5+s3], $0x2710, $0x38;
	[tilespmem:$0x13A10] =	vst v63  }
0x15: {  	_ =	swait.ge [sflag:s11], $0x2710  }
0x16: {  	[sflag:s11] =	ssyncset.done $0x0  }
0x17: {  	[sflag:s11] =	ssyncadd.s32 $0xFFFFD8F0  }
0x18: {  	[tilespmem:s12], [sflag:$0x2] =	stream.linear.gather [hbm4b:s6+s3], $0x2710, $0x38;
	[tilespmem:$0x13A10] =	vst v63  }
0x19: {  	_ =	swait.ge [sflag:s11], $0x2710  }
0x1a: {  	[sflag:s11] =	ssyncset.done $0x0  }
0x1b: {  	[sflag:s11] =	ssyncadd.s32 $0xFFFFD8F0  }
0x1c: {  	[tilespmem:s13], [sflag:$0x2] =	stream.linear.gather [hbm4b:s7+s3], $0x2710, $0x38;
	[tilespmem:$0x13A10] =	vst v63  }
0x1d: {  	_ =	swait.ge [sflag:s11], $0x2710  }
0x1e: {  	[sflag:s11] =	ssyncset.done $0x0  }
0x1f: {  	[sflag:s11] =	ssyncadd.s32 $0xFFFFD8F0  }
0x20: {  	s20 =	simm.s32 $0x0;
	[bflag:$0x0] =	sbarrier.arrive $0xFFFF  }
.LBB2_2:
0x21: {  	s21 =	smul.u32 $0x50, s20;
	_ =	sdelay $0x1  }
0x22: {  	s22 =	sadd.s32 $0x2710, s21  }
0x23: {  	[tilespmem:s15], [sflag:$0x1] =	stream.indirect.gather [hbm4b:s0+s14], $0x40, s22, s14, $0xb8;
	[tilespmem:$0x13A10] =	vst v63  }
0x24: {  	v0 =	vld [tilespmem:s21+$0x0];
	_ =	sdelay $0x4  }
0x25: {  	[tilespmem:$0x9D30] =	vst v0  }
0x26: {  	v0 =	vld [tilespmem:s21+$0x4E20];
	_ =	sdelay $0x4  }
0x27: {  	[tilespmem:$0x9D80] =	vst v0  }
0x28: {  	v0 =	vld [tilespmem:s21+$0x10];
	_ =	sdelay $0x4  }
0x29: {  	[tilespmem:$0x9D40] =	vst v0  }
0x2a: {  	v0 =	vld [tilespmem:s21+$0x4E30];
	_ =	sdelay $0x4  }
0x2b: {  	[tilespmem:$0x9D90] =	vst v0  }
0x2c: {  	v0 =	vld [tilespmem:s21+$0x20];
	_ =	sdelay $0x4  }
0x2d: {  	[tilespmem:$0x9D50] =	vst v0  }
0x2e: {  	v0 =	vld [tilespmem:s21+$0x4E40];
	_ =	sdelay $0x4  }
0x2f: {  	[tilespmem:$0x9DA0] =	vst v0  }
0x30: {  	v0 =	vld [tilespmem:s21+$0x30];
	_ =	sdelay $0x4  }
0x31: {  	[tilespmem:$0x9D60] =	vst v0  }
0x32: {  	v0 =	vld [tilespmem:s21+$0x4E50];
	_ =	sdelay $0x4  }
0x33: {  	[tilespmem:$0x9DB0] =	vst v0  }
0x34: {  	v0 =	vld [tilespmem:s21+$0x40];
	_ =	sdelay $0x4  }
0x35: {  	[tilespmem:$0x9D70] =	vst v0  }
0x36: {  	v0 =	vld [tilespmem:s21+$0x4E60];
	_ =	sdelay $0x4  }
0x37: {  	s31 =	simm.s32 $0x0;
	[tilespmem:$0x9DC0] =	vst v0  }
0x38: {  	v0 =	vmov s31;
	_ =	swait.ge [sflag:s16], $0x1400  }
0x39: {  	[sflag:s16] =	ssyncset.done $0x0  }
0x3a: {  	s21 =	simm.s32 $0x7550;
	[sflag:s16] =	ssyncadd.s32 $0xFFFFEC00  }
0x3b: {  	v2 =	vld [tilespmem:s21+$0xFFFFFFF0]  }
0x3c: {  	v3 =	vld [tilespmem:s21+$0x10]  }
0x3d: {  	v5 =	vld.idx.msk [tilespmem:v0+s17+$0x0], $0xffff  }
0x3e: {  	v0 =	vld [tilespmem:s21+$0xFFFFFFE0]  }
0x3f: {  	v6 =	vld [tilespmem:s21+$0x0];
	_ =	sdelay $0x3  }
0x40: {  	s23 =	simm.s32 $0x1;
	v1 =	vmul.f32 v0, v5;
	v4 =	vmul.f32 v3, v5  }
0x41: {  	s22 =	simm.s32 $0x2;
	v0 =	vmov s23;
	v3 =	vmul.f32 v2, v5;
	v2 =	vmul.f32 v6, v5;
	s23 =	simm.s32 $0x7550  }
.LBB2_3:
0x42: {  	p1 =	sne.s32 s22, $0x4F  }
0x43: {  	[tilespmem:s21+$0x10] =	vst v4;
	s23 =	sadd.s32 $0x40, s23;
	s24 =	smov.u32 s22;
	s22 =	sadd.s32 $0x1, s22  }
0x44: {  	[tilespmem:s21+$0xFFFFFFE0] =	vst v1  }
0x45: {  	v5 =	vld [tilespmem:s23+$0xFFFFFFF0];
	[tilespmem:s21+$0xFFFFFFF0] =	vst v3  }
0x46: {  	v3 =	vld [tilespmem:s23+$0x10];
	[tilespmem:s21+$0x0] =	vst v2;
	s21 =	smov.u32 s23  }
0x47: {  	v2 =	vld.idx.msk [tilespmem:v0+s17+$0x0], $0xffff  }
0x48: {  	v0 =	vld [tilespmem:s23+$0xFFFFFFE0]  }
0x49: {  	v6 =	vld [tilespmem:s23+$0x0]  }
.Ltmp0:
0x4a: {  	(pc) =	sbr.rel @p1 .LBB2_3-.Ltmp0, $3  }
0x4b: {  	_ =	sdelay $0x1  }
0x4c: {  	v4 =	vmul.f32 v3, v2;
	v1 =	vmul.f32 v0, v2  }
0x4d: {  	v3 =	vmul.f32 v5, v2;
	v0 =	vmov s24;
	v2 =	vmul.f32 v6, v2  }
0x4e: {  	[tilespmem:s21+$0x10] =	vst v4  }
0x4f: {  	s22 =	sadd.s32 $0x40, s23;
	[tilespmem:s21+$0xFFFFFFE0] =	vst v1  }
0x50: {  	v1 =	vld [tilespmem:s22+$0xFFFFFFF0];
	[tilespmem:s21+$0xFFFFFFF0] =	vst v3  }
0x51: {  	v3 =	vld [tilespmem:s22+$0x10];
	[tilespmem:s21+$0x0] =	vst v2  }
0x52: {  	v0 =	vld.idx.msk [tilespmem:v0+s17+$0x0], $0xffff  }
0x53: {  	v2 =	vld [tilespmem:s22+$0xFFFFFFE0];
	_ =	sdelay $0x1  }
0x54: {  	v4 =	vld [tilespmem:s22+$0x0];
	_ =	sdelay $0x1  }
0x55: {  	v3 =	vmul.f32 v3, v0  }
0x56: {  	v2 =	vmul.f32 v2, v0  }
0x57: {  	v1 =	vmul.f32 v1, v0;
	[tilespmem:s22+$0x10] =	vst v3  }
0x58: {  	s20 =	sadd.s32 $0x1, s20;
	v0 =	vmul.f32 v4, v0;
	[tilespmem:s22+$0xFFFFFFE0] =	vst v2  }
0x59: {  	p1 =	sne.s32 s20, $0x7D;
	[tilespmem:s22+$0xFFFFFFF0] =	vst v1  }
.Ltmp1:
0x5a: {  	[tilespmem:s22+$0x0] =	vst v0;
	(pc) =	sbr.rel @p1 .LBB2_2-.Ltmp1, $4  }
0x5b: {  	[spmem:s2] =	stream.indirect.scatter.add.f32 [tilespmem:s15], [sflag:$0x2], $0x40, s18, s14, $0xb8;
	[tilespmem:$0x13A10] =	vst v63  }
0x5c: {  	_ =	swait.ge [sflag:s11], $0x1400  }
0x5d: {  	[sflag:s11] =	ssyncset.done $0x0  }
0x5e: {  	[sflag:s11] =	ssyncadd.s32 $0xFFFFEC00  }
0x5f: {  	[bflag:$0x0] =	sbarrier.arrive $0xFFFF;
	s20 =	simm.s32 @!p0 $0x1C02;
	s19 =	sadd.s32 $0x1, s19  }
0x60: {  	[hbm:s8], [sflag:s20] =	dma.local @!p0 [spmem:s10], $0x13880  }
0x61: {  	p1 =	sne.s32 s19, s9  }
.Ltmp2:
0x62: {  	_ = 	snop;
	(pc) =	sbr.rel @p1 .LBB2_1-.Ltmp2, $4  }
0x63: {  	s20 =	simm.s32 @!p0 $0x2  }
0x64: {  	_ =	swait.ge @!p0 [sflag:s20], $0x13880  }
0x65: {  	[sflag:s20] =	ssyncset.done @!p0 $0x0  }
0x66: {  	[sflag:s20] =	ssyncadd.s32 @!p0 $0xFFFEC780  }
0x67: {  	_ =	sfence.sel $0x180000  }
0x68: {  	[bflag:$0x0] =	sbarrier.arrive $0xFFFF  }
0x69: {  	_ =	strace $0x9000004A  }
0x6a: {  	s0 =	sadd.s32 @!p0 $0x100000, s1;
	[bflag:$0x2] =	sbarrier.arrive $0xFFFF  }
0x6b: {  	[sflag:s0] =	ssyncadd.tile.s32 @!p0 $0x1;
	_ =	shalt  }
.Lfunc_end2:
_tile_overlayer_lowered:
.L_overlay_start_2:
0x6c: {  	(tag) =	ssettag $0x2  }
0x6d: {  	s0 =	rddreg [dreg:$0x0];
	s2 =	stileid.u32  }
0x6e: {  	s1 =	rddreg [dreg:$0x1];
	p0 =	sne.s32 s2, $0x0  }
0x6f: {  	s3 =	rddreg [dreg:$0x2];
	[bflag:$0x3] =	sbarrier.arrive $0xFFFF;
	s2 =	simm.s32 @!p0 $0x1C02  }
0x70: {  	[timem:s3], [sflag:s2] =	dma.local @!p0 [hbm:s0], s1  }
0x71: {  	s0 =	simm.s32 @!p0 $0x2  }
0x72: {  	_ =	swait.ge @!p0 [sflag:s0], s1  }
0x73: {  	s1 =	ssub.s32 @!p0 $0x0, s1;
	[sflag:s0] =	ssyncset.done @!p0 $0x0  }
0x74: {  	[sflag:s0] =	ssyncadd.s32 @!p0 s1  }
0x75: {  	[bflag:$0x3] =	sbarrier.arrive $0xFFFF  }
0x76: {  	_ =	shalt  }

// kernel: kernel.7.cloned.1.call-start
scs
__scs_entry_jumppad:
0x0: {  	(pc) =	sbr.rel $0x88, $3  }
0x1: {  	(tag) =	ssettag $0x0;
	lr =	simm.s32 $0x1  }
0x2: {  	[smem:$0x3F8A] =	sst lr;
	_ =	strace $0xD0000000  }
0x3: {  	_ = 	snop  }
0x4: {  	_ = 	snop  }
0x5: {  	_ = 	snop  }
0x6: {  	_ = 	snop  }
0x7: {  	_ = 	snop  }
__scs_overlays_trampoline_lowered:
0x8: {  	[smem:$0x3F99] =	sst s0  }
0x9: {  	[smem:$0x3F9A] =	sst s1  }
0xa: {  	[smem:$0x3F9B] =	sst s2  }
0xb: {  	[smem:$0x3F9C] =	sst s3  }
0xc: {  	[smem:$0x3F9D] =	sst s4  }
0xd: {  	[smem:$0x3F9E] =	sst s5  }
0xe: {  	[smem:$0x3F9F] =	sst s6  }
0xf: {  	[smem:$0x3FA0] =	sst s7  }
0x10: {  	[smem:$0x3FA1] =	sst s8  }
0x11: {  	[smem:$0x3FA2] =	sst s9;
	s0 =	simm.s32 @!p0 $0x0  }
0x12: {  	s1 =	sld [smem:$0x3F88];
	s0 =	simm.s32 @p0 $0x1  }
0x13: {  	[smem:$0x3FA3] =	sst s0;
	s0 =	simm.s32 @!p1 $0x0  }
0x14: {  	s2 =	sld [smem:$0x3F87];
	s0 =	simm.s32 @p1 $0x1  }
0x15: {  	[smem:$0x3FA4] =	sst s0;
	s0 =	simm.s32 @!p2 $0x0  }
0x16: {  	s3 =	sld [smem:$0x3FDB];
	s0 =	simm.s32 @p2 $0x1  }
0x17: {  	s4 =	simm.s32 $0x1BF5;
	[smem:$0x3FA6] =	sst s0  }
0x18: {  	s0 =	sld [smem:$0x3F89];
	_ =	swait.ge [sflag:s4], $0x0  }
0x19: {  	s7 =	sld [smem:$0x3F8A]  }
0x1a: {  	s8 =	sadd.s32 $0xFFFFE003, lr  }
0x1b: {  	s9 =	sadd.s32 $0xFFFFFEF7, lr;
	s5 =	simm.s32 $0xFFFFFFFF;
	p2 =	slt.u32 s8, $0xFFFFF086  }
0x1c: {  	p1 =	slt.u32 s9, $0xF7A;
	s5 =	simm.s32 @!p2 $0x0  }
0x1d: {  	s5 =	simm.s32 @p1 $0x1;
	p0 =	seq.s32 s7, s2  }
0x1e: {  	s7 =	smul.u32 @!p0 $0xF7A, s2;
	p2 =	seq.s32 @!p0 s5, $0x0  }
0x1f: {  	s9 =	smul.u32 $0xF7A, s1;
	s8 =	simm.s32 @!p0 $0x1BF5;
	p2 =	por !p2, p0  }
0x20: {  	[sflag:s8] =	ssyncset.s32 @!p0 $0xFFFFF086;
	s6 =	sadd.s32 @!p0 s3, s7;
	s7 =	simm.s32 @!p0 $0x108  }
0x21: {  	s3 =	sadd.s32 s3, s9;
	s6 =	sadd.s32 @!p0 $0x88, s6;
	s7 =	simm.s32 @p2 $0x1082  }
0x22: {  	[simem:s7], [sflag:s8] =	dma.local @!p0 [hbm:s6], $0xF7A  }
0x23: {  	s9 =	sor.u32 $0xD0000000, s2;
	s6 =	simm.s32 $0x108;
	_ =	swait.ge @!p0 [sflag:s8], $0x0  }
0x24: {  	s3 =	sadd.s32 $0x88, s3;
	s6 =	simm.s32 @!p1 $0x1082;
	[sflag:s4] =	ssyncset.s32 $0xFFFFF086  }
0x25: {  	[simem:s6], [sflag:s4] =	dma.local [hbm:s3], $0xF7A  }
0x26: {  	[smem:$0x3F8A] =	sst s1;
	(tag) =	ssettag s2;
	_ =	strace s9  }
0x27: {  	s1 =	sld [smem:$0x3F9A]  }
0x28: {  	s2 =	sld [smem:$0x3F9B]  }
0x29: {  	s4 =	sld [smem:$0x3F9D]  }
0x2a: {  	p0 =	seq.s32 s5, $0x0;
	s5 =	sld [smem:$0x3F9E]  }
0x2b: {  	s6 =	sld [smem:$0x3F9F]  }
0x2c: {  	s7 =	sld [smem:$0x3FA0]  }
0x2d: {  	s3 =	simm.s32 $0x108;
	s8 =	sld [smem:$0x3FA1]  }
0x2e: {  	s3 =	simm.s32 @!p0 $0x1082;
	s9 =	sld [smem:$0x3FA2]  }
0x2f: {  	lr =	sadd.s32 s0, s3;
	s0 =	sld [smem:$0x3F99]  }
0x30: {  	s3 =	sld [smem:$0x3F9C]  }
0x31: {  	[smem:$0x3FA5] =	sst s10  }
0x32: {  	s10 =	sld [smem:$0x3FA3];
	_ =	sdelay $0x3  }
0x33: {  	p0 =	seq.s32 s10, $0x1;
	s10 =	sld [smem:$0x3FA5];
	_ =	sdelay $0x3  }
0x34: {  	[smem:$0x3FA5] =	sst s10  }
0x35: {  	s10 =	sld [smem:$0x3FA4];
	_ =	sdelay $0x3  }
0x36: {  	p1 =	seq.s32 s10, $0x1;
	s10 =	sld [smem:$0x3FA5];
	_ =	sdelay $0x3  }
0x37: {  	[smem:$0x3FA5] =	sst s10  }
0x38: {  	s10 =	sld [smem:$0x3FA6]  }
0x39: {  	_ = 	snop;
	(pc) =	sbr.ind lr, $3  }
0x3a: {  	_ = 	snop  }
0x3b: {  	_ = 	snop  }
0x3c: {  	p2 =	seq.s32 s10, $0x1;
	s10 =	sld [smem:$0x3FA5]  }
0x3d: {  	_ =	shalt  }
0x3e: {  	_ =	shalt  }
0x3f: {  	_ =	shalt  }
0x40: {  	_ =	shalt  }
0x41: {  	_ =	shalt  }
0x42: {  	_ =	shalt  }
0x43: {  	_ =	shalt  }
0x44: {  	_ =	shalt  }
0x45: {  	_ =	shalt  }
0x46: {  	_ =	shalt  }
0x47: {  	_ =	shalt  }
0x48: {  	_ =	shalt  }
0x49: {  	_ =	shalt  }
0x4a: {  	_ =	shalt  }
0x4b: {  	_ =	shalt  }
0x4c: {  	_ =	shalt  }
0x4d: {  	_ =	shalt  }
0x4e: {  	_ =	shalt  }
0x4f: {  	_ =	shalt  }
0x50: {  	_ =	shalt  }
0x51: {  	_ =	shalt  }
0x52: {  	_ =	shalt  }
0x53: {  	_ =	shalt  }
0x54: {  	_ =	shalt  }
0x55: {  	_ =	shalt  }
0x56: {  	_ =	shalt  }
0x57: {  	_ =	shalt  }
0x58: {  	_ =	shalt  }
0x59: {  	_ =	shalt  }
0x5a: {  	_ =	shalt  }
0x5b: {  	_ =	shalt  }
0x5c: {  	_ =	shalt  }
0x5d: {  	_ =	shalt  }
0x5e: {  	_ =	shalt  }
0x5f: {  	_ =	shalt  }
0x60: {  	_ =	shalt  }
0x61: {  	_ =	shalt  }
0x62: {  	_ =	shalt  }
0x63: {  	_ =	shalt  }
0x64: {  	_ =	shalt  }
0x65: {  	_ =	shalt  }
0x66: {  	_ =	shalt  }
0x67: {  	_ =	shalt  }
0x68: {  	_ =	shalt  }
0x69: {  	_ =	shalt  }
0x6a: {  	_ =	shalt  }
0x6b: {  	_ =	shalt  }
0x6c: {  	_ =	shalt  }
0x6d: {  	_ =	shalt  }
0x6e: {  	_ =	shalt  }
0x6f: {  	_ =	shalt  }
0x70: {  	_ =	shalt  }
0x71: {  	_ =	shalt  }
0x72: {  	_ =	shalt  }
0x73: {  	_ =	shalt  }
0x74: {  	_ =	shalt  }
0x75: {  	_ =	shalt  }
0x76: {  	_ =	shalt  }
0x77: {  	_ =	shalt  }
0x78: {  	_ =	shalt  }
0x79: {  	_ =	shalt  }
0x7a: {  	_ =	shalt  }
0x7b: {  	_ =	shalt  }
0x7c: {  	_ =	shalt  }
0x7d: {  	_ =	shalt  }
0x7e: {  	_ =	shalt  }
0x7f: {  	_ =	shalt  }
0x80: {  	_ =	shalt  }
0x81: {  	_ =	shalt  }
0x82: {  	_ =	shalt  }
0x83: {  	_ =	shalt  }
0x84: {  	_ =	shalt  }
0x85: {  	_ =	shalt  }
0x86: {  	_ =	shalt  }
0x87: {  	_ =	shalt  }
.Lfunc_end0:
.L_simem_size_0:
called_computation_lowered:
.L_overlay_start_0:
0x88: {  	s2 =	sld [smem:$0x3FD9]  }
0x89: {  	s3 =	sld [smem:$0x3FFE];
	_ =	sdelay $0x1  }
0x8a: {  	s1 =	srdreg.scid  }
0x8b: {  	s0 =	sand.u32 $0x1, s1  }
0x8c: {  	s16 =	sshll.u32 s0, $0xA;
	s2 =	sadd.s32 s3, s2  }
0x8d: {  	s2 =	sadd.s32 s2, s16  }
0x8e: {  	[smem:$0x3FB1] =	sst s2  }
0x8f: {  	_ = 	snop  }
0x90: {  	(tm) =	ssettm $0x1  }
0x91: {  	s17 =	sld [smem:$0x3FFB];
	_ =	sdelay $0x3  }
0x92: {  	_ =	strace s17  }
0x93: {  	s2 =	sld [smem:$0x3FFC];
	_ =	sdelay $0x3  }
0x94: {  	_ =	strace s2  }
0x95: {  	s2 =	sld [smem:$0x3FFD];
	_ =	sdelay $0x3  }
0x96: {  	_ =	strace s2  }
0x97: {  	_ =	strace $0x8FFFFFFF  }
0x98: {  	s18 =	sld [smem:$0x3FDB];
	_ =	sdelay $0x1  }
0x99: {  	s19 =	simm.s32 $_scs_section_size  }
0x9a: {  	s4 =	simm.s32 $_size__tile_overlayer_lowered;
	s5 =	simm.s32 $_tile_overlayer_lowered  }
0x9b: {  	s22 =	simm.s32 $0x1BFF;
	s21 =	sshll.u32 s5, $0x1;
	s2 =	sadd.s32 s19, s18  }
0x9c: {  	s6 =	simm.s32 $0x0;
	s20 =	sshll.u32 s4, $0x1;
	s4 =	sadd.s32 s21, s2  }
0x9d: {  	[timem:s6], [sflag:s22] =	dma.local [hbm:s4], s20  }
0x9e: {  	_ =	swait.ge [sflag:s22], s20  }
0x9f: {  	s3 =	ssub.s32 $0x0, s20;
	[sflag:s22] =	ssyncset.done $0x0  }
0xa0: {  	[sflag:s22] =	ssyncadd.s32 s3;
	_ =	sdelay $0x1  }
0xa1: {  	s23 =	simm.s32 $0x1B8B  }
0xa2: {  	_ =	swait.ge [sflag:s23], $0x1  }
0xa3: {  	[sflag:s23] =	ssyncset.done $0x0  }
0xa4: {  	s25 =	simm.s32 $0x1B8E;
	s24 =	sld [smem:$0x3FFE];
	[sflag:s23] =	ssyncadd.s32 $0xFFFFFFFF  }
0xa5: {  	s26 =	simm.s32 $execute0_lowered;
	[smem:$0x3FD2] =	sst s25  }
0xa6: {  	s4 =	sshll.u32 s26, $0x1;
	_ =	strace $0x80000046;
	[dreg:$0x1] =	wrdreg $0xFFFFFFFF  }
0xa7: {  	s28 =	simm.s32 $_size_execute0_lowered;
	s2 =	sadd.s32 s2, s4;
	[dreg:$0x0] =	wrdreg $0x0  }
0xa8: {  	s4 =	sshll.u32 s28, $0x1;
	[dreg:$0x2] =	wrdreg s2  }
0xa9: {  	[dreg:$0x3] =	wrdreg s4  }
0xaa: {  	[dreg:$0x4] =	wrdreg $0xC0  }
0xab: {  	_ =	task [dreg:s6], $0x5FFFF  }
0xac: {  	[dreg:$0x1] =	wrdreg $0xFFFFFFFF  }
0xad: {  	[dreg:$0x0] =	wrdreg $0x60  }
0xae: {  	[dreg:$0x2] =	wrdreg s24  }
0xaf: {  	[dreg:$0x3] =	wrdreg $0x9  }
0xb0: {  	_ =	task.clear_ibuf [dreg:s6], $0x4FFFF;
	_ =	strace $0x90000046  }
0xb1: {  	s29 =	simm.s32 $0x9;
	_ =	strace $0x80000048  }
0xb2: {  	_ =	swait.ge [sflag:s29], $0x1  }
0xb3: {  	[sflag:s29] =	ssyncadd.s32 $0xFFFFFFFF  }
0xb4: {  	_ =	strace $0x90000048  }
0xb5: {  	_ =	sfence  }
0xb6: {  	s30 =	sld [smem:$0x0];
	_ =	sdelay $0x2  }
0xb7: {  	s31 =	sshll.u32 s1, $0xD;
	s1 =	sshrl.u32 s1, $0x2  }
0xb8: {  	s3 =	sand.u32 $0x4000, s31;
	s1 =	sadd.s32 s1, s30  }
0xb9: {  	s0 =	sor.u32 s3, s0;
	s1 =	sshll.u32 s1, $0x11  }
0xba: {  	s0 =	sor.u32 s1, s0  }
0xbb: {  	s0 =	sadd.s32 $0x8F2B, s0  }
0xbc: {  	[sflag:s0] =	ssyncadd.remote.s32 $0x1  }
0xbd: {  	_ =	sfence.sel $0xFFFF  }
0xbe: {  	[dreg:$0x0] =	wrdreg $0xFFFFFFFF;
	(pc) =	sbr.abs _section_cstart, $3  }
0xbf: {  	[dreg:$0x1] =	wrdreg $0xFFFFFFFF  }
0xc0: {  	_ =	task.clear_ibuf [dreg:s6], $0x2FFFF;
	_ =	strace $0x9FFFFFFF  }
0xc1: {  	(tm) =	ssettm $0x7FFFFFFF  }
tec
execute0_lowered:
.L_overlay_start_1:
0x0: {  	(tag) =	ssettag $0x1  }
0x1: {  	s1 =	srdreg.scid  }
0x2: {  	s0 =	stileid.u32;
	s6 =	rddreg [dreg:$0x0]  }
0x3: {  	s2 =	simm.s32 $0x0;
	s10 =	simm.s32 $0x3;
	s11 =	simm.s32 $0x2710  }
0x4: {  	s12 =	simm.s32 $0x50;
	s13 =	simm.s32 $0x4E20;
	s14 =	simm.s32 $0x6220  }
0x5: {  	s15 =	simm.s32 $0x1;
	s7 =	sand.u32 $0x1, s1;
	s3 =	sshll.u32 s0, $0x1  }
0x6: {  	s16 =	simm.s32 $0x2;
	s17 =	simm.s32 $0x0;
	s3 =	sor.u32 s7, s3  }
0x7: {  	s1 =	rddreg [dreg:$0x1];
	s7 =	ssub.s32 $0x2, s7;
	s3 =	smul.u32 $0x2710, s3  }
0x8: {  	[smem:$0x7FF] =	sst s2;
	s4 =	sadd.s32 $0x2600, s6;
	s9 =	sshrl.u32 s7, $0x1  }
0x9: {  	s5 =	sadd.s32 $0x16000, s6;
	s9 =	ssub.s32 s7, s9;
	s8 =	sshrl.u32 s3, $0x3  }
0xa: {  	_ =	strace $0x80000047;
	s9 =	smax.u32 s9, $0x1;
	s8 =	sadd.s32 s8, s6  }
0xb: {  	s6 =	sadd.s32 $0x3D600, s6;
	s7 =	sadd.s32 $0x33800, s8;
	s8 =	sadd.s32 $0x29A00, s8  }
.LBB2_1:
0xc: {  	[tilespmem:s2], [sflag:$0x3] =	stream.linear.gather [hbm4b:s7+s2], $0x2710, $0x38;
	[tilespmem:$0x7620] =	vst v63  }
0xd: {  	_ =	swait.ge [sflag:s10], $0x2710  }
0xe: {  	[sflag:s10] =	ssyncset.done $0x0  }
0xf: {  	[sflag:s10] =	ssyncadd.s32 $0xFFFFD8F0  }
0x10: {  	[tilespmem:s11], [sflag:$0x3] =	stream.linear.gather [hbm4b:s8+s2], $0x2710, $0x38;
	[tilespmem:$0x7620] =	vst v63  }
0x11: {  	_ =	swait.ge [sflag:s10], $0x2710  }
0x12: {  	[sflag:s10] =	ssyncset.done $0x0  }
0x13: {  	s18 =	simm.s32 $0x0;
	[sflag:s10] =	ssyncadd.s32 $0xFFFFD8F0  }
.LBB2_2:
0x14: {  	s19 =	smul.u32 $0x50, s18;
	_ =	sdelay $0x1  }
0x15: {  	[tilespmem:s13], [sflag:$0x1] =	stream.indirect.gather [hbm4b:s4+s12], $0x40, s19, s12, $0xb8;
	[tilespmem:$0x7620] =	vst v63  }
0x16: {  	s20 =	sadd.s32 $0x2710, s19  }
0x17: {  	[tilespmem:s14], [sflag:$0x2] =	stream.indirect.gather [hbm4b:s5+s12], $0x40, s20, s12, $0xb8;
	[tilespmem:$0x7620] =	vst v63  }
0x18: {  	_ =	swait.ge [sflag:s15], $0x1400  }
0x19: {  	[sflag:s15] =	ssyncset.done $0x0  }
0x1a: {  	[sflag:s15] =	ssyncadd.s32 $0xFFFFEC00  }
0x1b: {  	_ =	swait.ge [sflag:s16], $0x1400  }
0x1c: {  	[sflag:s16] =	ssyncset.done $0x0  }
0x1d: {  	s20 =	simm.s32 $0x0;
	[sflag:s16] =	ssyncadd.s32 $0xFFFFEC00  }
0x1e: {  	v5 =	vld [tilespmem:s20+$0x6220]  }
0x1f: {  	v6 =	vld [tilespmem:s20+$0x6230]  }
0x20: {  	v1 =	vld [tilespmem:s20+$0x6240]  }
0x21: {  	v0 =	vld [tilespmem:s20+$0x6250]  }
0x22: {  	v2 =	vld [tilespmem:s20+$0x4E20]  }
0x23: {  	v4 =	vld [tilespmem:s20+$0x4E30]  }
0x24: {  	s21 =	simm.s32 $0x100;
	v3 =	vld [tilespmem:s20+$0x4E40]  }
.LBB2_3:
0x25: {  	s22 =	sshra.s32 s21, $0x2;
	p0 =	sne.s32 s21, $0x4F00;
	v7 =	vld [tilespmem:s20+$0x4E50];
	v8 =	vmov v1  }
0x26: {  	v9 =	vld [tilespmem:s22+$0x6220];
	v10 =	vmov v0  }
0x27: {  	v11 =	vld [tilespmem:s22+$0x6230];
	v2 =	vadd.f32 v5, v2  }
.Ltmp0:
0x28: {  	v1 =	vld [tilespmem:s22+$0x6240];
	v4 =	vadd.f32 v6, v4;
	(pc) =	sbr.rel @p0 .LBB2_3-.Ltmp0, $4  }
0x29: {  	v0 =	vld [tilespmem:s22+$0x6250];
	[tilespmem:s20+$0x4E20] =	vst v2;
	v3 =	vadd.f32 v8, v3  }
0x2a: {  	v2 =	vld [tilespmem:s22+$0x4E20];
	[tilespmem:s20+$0x4E30] =	vst v4;
	v7 =	vadd.f32 v10, v7  }
0x2b: {  	v4 =	vld [tilespmem:s22+$0x4E30];
	[tilespmem:s20+$0x4E40] =	vst v3;
	v5 =	vmov v9  }
0x2c: {  	s21 =	sadd.s32 $0x100, s21;
	v3 =	vld [tilespmem:s22+$0x4E40];
	[tilespmem:s20+$0x4E50] =	vst v7;
	v6 =	vmov v11;
	s20 =	smov.u32 s22  }
0x2d: {  	v7 =	vld [tilespmem:s20+$0x4E50];
	_ =	sdelay $0x1  }
0x2e: {  	v2 =	vadd.f32 v5, v2  }
0x2f: {  	v4 =	vadd.f32 v6, v4  }
0x30: {  	[tilespmem:s20+$0x4E20] =	vst v2;
	v1 =	vadd.f32 v1, v3  }
0x31: {  	s19 =	sadd.s32 s3, s19;
	s18 =	sadd.s32 $0x1, s18;
	[tilespmem:s20+$0x4E30] =	vst v4;
	v0 =	vadd.f32 v0, v7  }
0x32: {  	s19 =	sshll.u32 s19, $0x3;
	p0 =	sne.s32 s18, $0x7D;
	[tilespmem:s20+$0x4E40] =	vst v1  }
.Ltmp1:
0x33: {  	s19 =	sadd.s32 s6, s19;
	[tilespmem:s20+$0x4E50] =	vst v0;
	(pc) =	sbr.rel @p0 .LBB2_2-.Ltmp1, $4  }
0x34: {  	[hbm4b:s19+s2] =	stream.linear.scatter [tilespmem:s13], [sflag:$0x3], $0x1400, $0x38;
	[tilespmem:$0x7620] =	vst v63  }
0x35: {  	_ =	swait.ge [sflag:s10], $0x1400  }
0x36: {  	[sflag:s10] =	ssyncset.done $0x0  }
0x37: {  	[sflag:s10] =	ssyncadd.s32 $0xFFFFEC00  }
0x38: {  	s17 =	sadd.s32 $0x1, s17  }
0x39: {  	p0 =	sne.s32 s17, s9  }
.Ltmp2:
0x3a: {  	_ = 	snop;
	(pc) =	sbr.rel @p0 .LBB2_1-.Ltmp2, $1  }
0x3b: {  	_ =	sdelay $0x3  }
0x3c: {  	_ =	sfence.sel $0x180000  }
0x3d: {  	[bflag:$0x0] =	sbarrier.arrive $0xFFFF  }
0x3e: {  	p0 =	sne.s32 s0, $0x0;
	_ =	strace $0x90000047  }
0x3f: {  	s0 =	sadd.s32 @!p0 $0x100000, s1;
	[bflag:$0x2] =	sbarrier.arrive $0xFFFF  }
0x40: {  	[sflag:s0] =	ssyncadd.tile.s32 @!p0 $0x1;
	_ =	shalt  }
.Lfunc_end2:
_tile_overlayer_lowered:
.L_overlay_start_2:
0x41: {  	(tag) =	ssettag $0x2  }
0x42: {  	s0 =	rddreg [dreg:$0x0];
	s2 =	stileid.u32  }
0x43: {  	s1 =	rddreg [dreg:$0x1];
	p0 =	sne.s32 s2, $0x0  }
0x44: {  	s3 =	rddreg [dreg:$0x2];
	[bflag:$0x3] =	sbarrier.arrive $0xFFFF;
	s2 =	simm.s32 @!p0 $0x1C03  }
0x45: {  	[timem:s3], [sflag:s2] =	dma.local @!p0 [hbm:s0], s1  }
0x46: {  	s0 =	simm.s32 @!p0 $0x3  }
0x47: {  	_ =	swait.ge @!p0 [sflag:s0], s1  }
0x48: {  	s1 =	ssub.s32 @!p0 $0x0, s1;
	[sflag:s0] =	ssyncset.done @!p0 $0x0  }
0x49: {  	[sflag:s0] =	ssyncadd.s32 @!p0 s1  }
0x4a: {  	[bflag:$0x3] =	sbarrier.arrive $0xFFFF  }
0x4b: {  	_ =	shalt  }

</sc_bundles>
